<compile_context>
chip_gen: v7x
topology: tpu7x:2x2x1
jax: 0.10.2.dev20260603
libtpu: 0.0.44.dev20260713+nightly
codegen_flags: <defaults>
</compile_context>

<pallas_src>
import functools

import jax
import jax.numpy as jnp
from jax import lax
from jax.experimental import pallas as pl
from jax.experimental.pallas import tpu as pltpu
from jax.experimental.pallas import tpu_sc as plsc

VOCAB = 1000000
EMB = 64
PAD = 128
BATCH = 4096
HIST = 200

NC, NS = 2, 16
NW = NC * NS
B_PER_W = BATCH // NW
BPC = 2
N_ITERS = B_PER_W // BPC
SPLITS = (0, 128)
SIZES = (128, 72)
NBUF = 2


@functools.partial(
    pl.kernel,
    out_type=jax.ShapeDtypeStruct((BATCH, HIST, PAD), jnp.float32),
    mesh=plsc.VectorSubcoreMesh(
        core_axis_name="c", subcore_axis_name="s", num_cores=NC
    ),
    scratch_types=[
        pltpu.VMEM((NBUF, BPC, HIST), jnp.int32),
        pltpu.VMEM((NBUF, BPC, HIST, PAD), jnp.float32),
        pltpu.SemaphoreType.DMA((NBUF,)),
        pltpu.SemaphoreType.DMA((NBUF,)),
        pltpu.SemaphoreType.DMA((NBUF,)),
    ],
    compiler_params=pltpu.CompilerParams(use_tc_tiling_on_sc=True),
)
def _sc_embed(x_hbm, table_hbm, out_hbm, idx_v, rows_v, sem_i, sem_g, sem_o):
    wid = lax.axis_index("s") * NC + lax.axis_index("c")
    base_b = wid * B_PER_W

    def idx_dma(g, p):
        b0 = base_b + g * BPC
        return pltpu.make_async_copy(
            x_hbm.at[pl.ds(b0, BPC)], idx_v.at[p], sem_i.at[p]
        )

    def gather_dma(p, j, k):
        return pltpu.make_async_copy(
            table_hbm.at[idx_v.at[p, j, pl.ds(SPLITS[k], SIZES[k])]],
            rows_v.at[p, j, pl.ds(SPLITS[k], SIZES[k])],
            sem_g.at[p],
        )

    def gathers(fn_name, p):
        for j in range(BPC):
            for k in range(len(SIZES)):
                getattr(gather_dma(p, j, k), fn_name)()

    def out_dma(g, p):
        b0 = base_b + g * BPC
        return pltpu.make_async_copy(
            rows_v.at[p], out_hbm.at[pl.ds(b0, BPC)], sem_o.at[p]
        )

    def step(g, p, q, first):
        gathers("wait", p)
        out_dma(g, p).start()
        idx_dma(jnp.minimum(g + 2, N_ITERS - 1), p).start()
        idx_dma(g + 1, q).wait()
        if not first:
            out_dma(g, q).wait()
        gathers("start", q)

    idx_dma(0, 0).start()
    idx_dma(1, 1).start()
    idx_dma(0, 0).wait()
    gathers("start", 0)

    step(0, 0, 1, True)

    def pair(k, carry):
        g = 1 + 2 * k
        step(g, 1, 0, False)
        step(g + 1, 0, 1, False)
        return carry

    lax.fori_loop(0, (N_ITERS - 2) // 2, pair, 0)

    gathers("wait", 1)
    out_dma(N_ITERS - 1, 1).start()
    idx_dma(N_ITERS - 1, 0).wait()
    out_dma(N_ITERS - 2, 0).wait()
    out_dma(N_ITERS - 1, 1).wait()


TBLK = 15360


def _tpose_body(tt_ref, out_ref):
    t = tt_ref[...].T
    out_ref[...] = jnp.concatenate([t, jnp.zeros_like(t)], axis=1)


def _table_pad_tc(table):
    return pl.pallas_call(
        _tpose_body,
        out_shape=jax.ShapeDtypeStruct((VOCAB, PAD), jnp.float32),
        grid=(pl.cdiv(VOCAB, TBLK),),
        in_specs=[pl.BlockSpec((EMB, TBLK), lambda i: (0, i))],
        out_specs=pl.BlockSpec((TBLK, PAD), lambda i: (i, 0)),
    )(table.T)


def _mask_body(x_ref, mask_ref):
    mask_ref[...] = (x_ref[...] != 0).astype(jnp.float32)


def _mask_tc(x):
    return pl.pallas_call(
        _mask_body,
        out_shape=jax.ShapeDtypeStruct((BATCH, HIST), jnp.float32),
        grid=(8,),
        in_specs=[pl.BlockSpec((BATCH // 8, HIST), lambda i: (i, 0))],
        out_specs=pl.BlockSpec((BATCH // 8, HIST), lambda i: (i, 0)),
    )(x)


def kernel(x, table):
    table_pad = _table_pad_tc(table)
    out_pad = _sc_embed(x, table_pad)
    out = out_pad[:, :, :EMB]
    mask = _mask_tc(x)
    return out, mask

# --- scband reference (transcript-rebuilt; emitter-appended) ---
"""Pipeline reference for scband-embedding-68461778698466 (READ-ONLY COPY).

The authoritative reference and input builder live on the scoring server;
editing this copy changes nothing except your own understanding.
"""

import jax, jax.numpy as jnp
import numpy as np

VOCAB = 1000000
EMB = 64
BATCH = 4096
HIST = 200


def setup_inputs(seed: int = 0) -> dict:
    key = jax.random.key(seed)
    k_idx, k_tab = jax.random.split(key)
    x = jax.random.randint(k_idx, (BATCH, HIST), 0, VOCAB, dtype=jnp.int64 if jax.config.jax_enable_x64 else jnp.int32).astype(jnp.int32)
    table = jax.random.uniform(k_tab, (VOCAB, EMB), dtype=jnp.float32, minval=-0.05, maxval=0.05)
    table = table.at[0].set(0.0)  # padding_idx=0 row zeroed
    return {"x": x, "table": table}


def reference(x, table):
    # faithful to Embedding.forward: embed -> dropout(p=0, eval no-op) -> mask
    # padding_idx=0: ensure padding row yields zeros (row already zeroed in weights,
    # but enforce like F.embedding semantics)
    table_pad = table.at[0].set(jnp.zeros((EMB,), dtype=table.dtype))
    embeddings = jnp.take(table_pad, x, axis=0)  # [B, L, E]
    mask = jnp.not_equal(x, 0).astype(jnp.float32)  # [B, L]
    return embeddings, mask

if __name__ == "__main__":
    import jax
    _d = setup_inputs()
    print(jax.jit(kernel)(*tuple(_d.values())))

</pallas_src>

<mosaic_0001>
#map = affine_map<(d0, d1) -> (0, 0)>
#map1 = affine_map<(d0, d1) -> (0, 0, 0)>
module attributes {stable_mosaic.version = 14 : i64} {
  func.func @_sc_embed(%arg0: i32, %arg1: i32, %arg2: memref<4096x200xi32, #tpu.memory_space<hbm>>, %arg3: memref<1000000x128xf32, #tpu.memory_space<hbm>>, %arg4: memref<4096x200x128xf32, #tpu.memory_space<hbm>>, %arg5: memref<2x2x200xi32, #tpu.memory_space<vmem>>, %arg6: memref<2x2x200x128xf32, #tpu.memory_space<vmem>>, %arg7: memref<2x!tpu.dma_semaphore, #tpu.memory_space<semaphore_mem>>, %arg8: memref<2x!tpu.dma_semaphore, #tpu.memory_space<semaphore_mem>>, %arg9: memref<2x!tpu.dma_semaphore, #tpu.memory_space<semaphore_mem>>) attributes {dimension_semantics = [#tpu.dimension_semantics<core_parallel>, #tpu.dimension_semantics<subcore_parallel>], iteration_bounds = array<i64: 2, 16>, scalar_prefetch = 0 : i64, scratch_operands = 5 : i64, tpu.core_type = #tpu.core_type<sc_vector_subcore>, window_params = [{transform_indices = #map}, {transform_indices = #map}, {transform_indices = #map1}]} {
    %mul3A = arith.constant 2 : i32
    %mul3A_0 = arith.muli %arg1, %mul3A : i32
    %add3A = arith.addi %mul3A_0, %arg0 : i32
    %mul3A_1 = arith.constant 128 : i32
    %mul3A_2 = arith.muli %add3A, %mul3A_1 : i32
    %add3A_3 = arith.constant 0 : i32
    %add3A_4 = arith.addi %mul3A_2, %add3A_3 : i32
    %dma_start3A = arith.constant 0 : i32
    %dma_start3A_5 = arith.constant 0 : i32
    %dma_start3A_6 = arith.constant 0 : i32
    %dma_start3A_7 = arith.constant 0 : i32
    %dma_start3A_8 = tpu.memref_slice %arg5[%dma_start3A, %dma_start3A_6, %dma_start3A_7] : memref<2x2x200xi32, #tpu.memory_space<vmem>> -> memref<1x2x200xi32, #tpu.memory_space<vmem>>
    %dma_start3A_9 = tpu.memref_squeeze %dma_start3A_8 : memref<1x2x200xi32, #tpu.memory_space<vmem>> -> memref<2x200xi32, #tpu.memory_space<vmem>>
    %dma_start3A_10 = arith.constant 0 : i32
    %dma_start3A_11 = tpu.memref_slice %arg2[%add3A_4, %dma_start3A_10] : memref<4096x200xi32, #tpu.memory_space<hbm>> -> memref<2x200xi32, #tpu.memory_space<hbm>>
    %dma_start3A_12 = tpu.memref_slice %arg7[%dma_start3A_5] : memref<2x!tpu.dma_semaphore, #tpu.memory_space<semaphore_mem>> -> memref<1x!tpu.dma_semaphore, #tpu.memory_space<semaphore_mem>>
    %dma_start3A_13 = tpu.memref_squeeze %dma_start3A_12 : memref<1x!tpu.dma_semaphore, #tpu.memory_space<semaphore_mem>> -> memref<!tpu.dma_semaphore, #tpu.memory_space<semaphore_mem>>
    %dma_start3A_14 = arith.constant 0 : i32
    %dma_start3A_15 = arith.constant 0 : i32
    %dma_start3A_16 = tpu.memref_slice %arg5[%dma_start3A, %dma_start3A_14, %dma_start3A_15] : memref<2x2x200xi32, #tpu.memory_space<vmem>> -> memref<1x2x200xi32, #tpu.memory_space<vmem>>
    %dma_start3A_17 = tpu.memref_squeeze %dma_start3A_16 : memref<1x2x200xi32, #tpu.memory_space<vmem>> -> memref<2x200xi32, #tpu.memory_space<vmem>>
    %dma_start3A_18 = arith.constant 0 : i32
    %dma_start3A_19 = tpu.memref_slice %arg2[%add3A_4, %dma_start3A_18] : memref<4096x200xi32, #tpu.memory_space<hbm>> -> memref<2x200xi32, #tpu.memory_space<hbm>>
    tpu.enqueue_dma source(%dma_start3A_19 : memref<2x200xi32, #tpu.memory_space<hbm>>) target(%dma_start3A_17 : memref<2x200xi32, #tpu.memory_space<vmem>>) target_semaphore(%dma_start3A_13 : memref<!tpu.dma_semaphore, #tpu.memory_space<semaphore_mem>>)
    %add3A_20 = arith.constant 2 : i32
    %add3A_21 = arith.addi %mul3A_2, %add3A_20 : i32
    %dma_start3A_22 = arith.constant 1 : i32
    %dma_start3A_23 = arith.constant 1 : i32
    %dma_start3A_24 = arith.constant 0 : i32
    %dma_start3A_25 = arith.constant 0 : i32
    %dma_start3A_26 = tpu.memref_slice %arg5[%dma_start3A_22, %dma_start3A_24, %dma_start3A_25] : memref<2x2x200xi32, #tpu.memory_space<vmem>> -> memref<1x2x200xi32, #tpu.memory_space<vmem>>
    %dma_start3A_27 = tpu.memref_squeeze %dma_start3A_26 : memref<1x2x200xi32, #tpu.memory_space<vmem>> -> memref<2x200xi32, #tpu.memory_space<vmem>>
    %dma_start3A_28 = arith.constant 0 : i32
    %dma_start3A_29 = tpu.memref_slice %arg2[%add3A_21, %dma_start3A_28] : memref<4096x200xi32, #tpu.memory_space<hbm>> -> memref<2x200xi32, #tpu.memory_space<hbm>>
    %dma_start3A_30 = tpu.memref_slice %arg7[%dma_start3A_23] : memref<2x!tpu.dma_semaphore, #tpu.memory_space<semaphore_mem>> -> memref<1x!tpu.dma_semaphore, #tpu.memory_space<semaphore_mem>>
    %dma_start3A_31 = tpu.memref_squeeze %dma_start3A_30 : memref<1x!tpu.dma_semaphore, #tpu.memory_space<semaphore_mem>> -> memref<!tpu.dma_semaphore, #tpu.memory_space<semaphore_mem>>
    %dma_start3A_32 = arith.constant 0 : i32
    %dma_start3A_33 = arith.constant 0 : i32
    %dma_start3A_34 = tpu.memref_slice %arg5[%dma_start3A_22, %dma_start3A_32, %dma_start3A_33] : memref<2x2x200xi32, #tpu.memory_space<vmem>> -> memref<1x2x200xi32, #tpu.memory_space<vmem>>
    %dma_start3A_35 = tpu.memref_squeeze %dma_start3A_34 : memref<1x2x200xi32, #tpu.memory_space<vmem>> -> memref<2x200xi32, #tpu.memory_space<vmem>>
    %dma_start3A_36 = arith.constant 0 : i32
    %dma_start3A_37 = tpu.memref_slice %arg2[%add3A_21, %dma_start3A_36] : memref<4096x200xi32, #tpu.memory_space<hbm>> -> memref<2x200xi32, #tpu.memory_space<hbm>>
    tpu.enqueue_dma source(%dma_start3A_37 : memref<2x200xi32, #tpu.memory_space<hbm>>) target(%dma_start3A_35 : memref<2x200xi32, #tpu.memory_space<vmem>>) target_semaphore(%dma_start3A_31 : memref<!tpu.dma_semaphore, #tpu.memory_space<semaphore_mem>>)
    %add3A_38 = arith.constant 0 : i32
    %add3A_39 = arith.addi %mul3A_2, %add3A_38 : i32
    %dma_wait3A = arith.constant 0 : i32
    %dma_wait3A_40 = arith.constant 0 : i32
    %dma_wait3A_41 = arith.constant 0 : i32
    %dma_wait3A_42 = arith.constant 0 : i32
    %dma_wait3A_43 = tpu.memref_slice %arg5[%dma_wait3A, %dma_wait3A_41, %dma_wait3A_42] : memref<2x2x200xi32, #tpu.memory_space<vmem>> -> memref<1x2x200xi32, #tpu.memory_space<vmem>>
    %dma_wait3A_44 = tpu.memref_squeeze %dma_wait3A_43 : memref<1x2x200xi32, #tpu.memory_space<vmem>> -> memref<2x200xi32, #tpu.memory_space<vmem>>
    %dma_wait3A_45 = arith.constant 0 : i32
    %dma_wait3A_46 = tpu.memref_slice %arg2[%add3A_39, %dma_wait3A_45] : memref<4096x200xi32, #tpu.memory_space<hbm>> -> memref<2x200xi32, #tpu.memory_space<hbm>>
    %dma_wait3A_47 = tpu.memref_slice %arg7[%dma_wait3A_40] : memref<2x!tpu.dma_semaphore, #tpu.memory_space<semaphore_mem>> -> memref<1x!tpu.dma_semaphore, #tpu.memory_space<semaphore_mem>>
    %dma_wait3A_48 = tpu.memref_squeeze %dma_wait3A_47 : memref<1x!tpu.dma_semaphore, #tpu.memory_space<semaphore_mem>> -> memref<!tpu.dma_semaphore, #tpu.memory_space<semaphore_mem>>
    %dma_wait3A_49 = arith.constant 0 : i32
    %dma_wait3A_50 = arith.constant 0 : i32
    %dma_wait3A_51 = tpu.memref_slice %arg5[%dma_wait3A, %dma_wait3A_49, %dma_wait3A_50] : memref<2x2x200xi32, #tpu.memory_space<vmem>> -> memref<1x2x200xi32, #tpu.memory_space<vmem>>
    %dma_wait3A_52 = tpu.memref_squeeze %dma_wait3A_51 : memref<1x2x200xi32, #tpu.memory_space<vmem>> -> memref<2x200xi32, #tpu.memory_space<vmem>>
    %dma_wait3A_53 = arith.constant 0 : i32
    %dma_wait3A_54 = tpu.memref_slice %arg2[%add3A_39, %dma_wait3A_53] : memref<4096x200xi32, #tpu.memory_space<hbm>> -> memref<2x200xi32, #tpu.memory_space<hbm>>
    tpu.wait_dma2 semaphore(%dma_wait3A_48 : memref<!tpu.dma_semaphore, #tpu.memory_space<semaphore_mem>>) src(%dma_wait3A_54 : memref<2x200xi32, #tpu.memory_space<hbm>>) dst(%dma_wait3A_52 : memref<2x200xi32, #tpu.memory_space<vmem>>)
    %dma_start3A_55 = arith.constant 0 : i32
    %dma_start3A_56 = arith.constant 0 : i32
    %dma_start3A_57 = arith.constant 0 : i32
    %dma_start3A_58 = arith.constant 0 : i32
    %dma_start3A_59 = arith.constant 0 : i32
    %dma_start3A_60 = arith.constant 0 : i32
    %dma_start3A_61 = arith.constant 0 : i32
    %dma_start3A_62 = tpu.memref_slice %arg6[%dma_start3A_57, %dma_start3A_58, %dma_start3A_60, %dma_start3A_61] : memref<2x2x200x128xf32, #tpu.memory_space<vmem>> -> memref<1x1x128x128xf32, #tpu.memory_space<vmem>>
    %dma_start3A_63 = tpu.memref_squeeze %dma_start3A_62 : memref<1x1x128x128xf32, #tpu.memory_space<vmem>> -> memref<128x128xf32, #tpu.memory_space<vmem>>
    %dma_start3A_64 = arith.constant 0 : i32
    %dma_start3A_65 = tpu.memref_slice %arg5[%dma_start3A_55, %dma_start3A_56, %dma_start3A_64] : memref<2x2x200xi32, #tpu.memory_space<vmem>> -> memref<1x1x128xi32, #tpu.memory_space<vmem>>
    %dma_start3A_66 = tpu.memref_squeeze %dma_start3A_65 : memref<1x1x128xi32, #tpu.memory_space<vmem>> -> memref<128xi32, #tpu.memory_space<vmem>>
    %dma_start3A_67 = arith.constant 0 : i32
    %dma_start3A_68 = arith.constant 0 : i32
    %dma_start3A_69 = tpu.memref_slice %arg3[%dma_start3A_67, %dma_start3A_68] : memref<1000000x128xf32, #tpu.memory_space<hbm>> -> memref<1000000x128xf32, #tpu.memory_space<hbm>>
    %dma_start3A_70 = tpu.memref_slice %arg8[%dma_start3A_59] : memref<2x!tpu.dma_semaphore, #tpu.memory_space<semaphore_mem>> -> memref<1x!tpu.dma_semaphore, #tpu.memory_space<semaphore_mem>>
    %dma_start3A_71 = tpu.memref_squeeze %dma_start3A_70 : memref<1x!tpu.dma_semaphore, #tpu.memory_space<semaphore_mem>> -> memref<!tpu.dma_semaphore, #tpu.memory_space<semaphore_mem>>
    tpu.enqueue_indirect_dma source(%dma_start3A_69 : memref<1000000x128xf32, #tpu.memory_space<hbm>>) target(%dma_start3A_63 : memref<128x128xf32, #tpu.memory_space<vmem>>) offsets(%dma_start3A_66 : memref<128xi32, #tpu.memory_space<vmem>>) semaphore(%dma_start3A_71 : memref<!tpu.dma_semaphore, #tpu.memory_space<semaphore_mem>>)
    %dma_start3A_72 = arith.constant 0 : i32
    %dma_start3A_73 = arith.constant 0 : i32
    %dma_start3A_74 = arith.constant 0 : i32
    %dma_start3A_75 = arith.constant 0 : i32
    %dma_start3A_76 = arith.constant 0 : i32
    %dma_start3A_77 = arith.constant 128 : i32
    %dma_start3A_78 = arith.constant 0 : i32
    %dma_start3A_79 = tpu.memref_slice %arg6[%dma_start3A_74, %dma_start3A_75, %dma_start3A_77, %dma_start3A_78] : memref<2x2x200x128xf32, #tpu.memory_space<vmem>> -> memref<1x1x72x128xf32, #tpu.memory_space<vmem>>
    %dma_start3A_80 = tpu.memref_squeeze %dma_start3A_79 : memref<1x1x72x128xf32, #tpu.memory_space<vmem>> -> memref<72x128xf32, #tpu.memory_space<vmem>>
    %dma_start3A_81 = arith.constant 128 : i32
    %dma_start3A_82 = tpu.memref_slice %arg5[%dma_start3A_72, %dma_start3A_73, %dma_start3A_81] : memref<2x2x200xi32, #tpu.memory_space<vmem>> -> memref<1x1x72xi32, #tpu.memory_space<vmem>>
    %dma_start3A_83 = tpu.memref_squeeze %dma_start3A_82 : memref<1x1x72xi32, #tpu.memory_space<vmem>> -> memref<72xi32, #tpu.memory_space<vmem>>
    %dma_start3A_84 = arith.constant 0 : i32
    %dma_start3A_85 = arith.constant 0 : i32
    %dma_start3A_86 = tpu.memref_slice %arg3[%dma_start3A_84, %dma_start3A_85] : memref<1000000x128xf32, #tpu.memory_space<hbm>> -> memref<1000000x128xf32, #tpu.memory_space<hbm>>
    %dma_start3A_87 = tpu.memref_slice %arg8[%dma_start3A_76] : memref<2x!tpu.dma_semaphore, #tpu.memory_space<semaphore_mem>> -> memref<1x!tpu.dma_semaphore, #tpu.memory_space<semaphore_mem>>
    %dma_start3A_88 = tpu.memref_squeeze %dma_start3A_87 : memref<1x!tpu.dma_semaphore, #tpu.memory_space<semaphore_mem>> -> memref<!tpu.dma_semaphore, #tpu.memory_space<semaphore_mem>>
    tpu.enqueue_indirect_dma source(%dma_start3A_86 : memref<1000000x128xf32, #tpu.memory_space<hbm>>) target(%dma_start3A_80 : memref<72x128xf32, #tpu.memory_space<vmem>>) offsets(%dma_start3A_83 : memref<72xi32, #tpu.memory_space<vmem>>) semaphore(%dma_start3A_88 : memref<!tpu.dma_semaphore, #tpu.memory_space<semaphore_mem>>)
    %dma_start3A_89 = arith.constant 0 : i32
    %dma_start3A_90 = arith.constant 1 : i32
    %dma_start3A_91 = arith.constant 0 : i32
    %dma_start3A_92 = arith.constant 1 : i32
    %dma_start3A_93 = arith.constant 0 : i32
    %dma_start3A_94 = arith.constant 0 : i32
    %dma_start3A_95 = arith.constant 0 : i32
    %dma_start3A_96 = tpu.memref_slice %arg6[%dma_start3A_91, %dma_start3A_92, %dma_start3A_94, %dma_start3A_95] : memref<2x2x200x128xf32, #tpu.memory_space<vmem>> -> memref<1x1x128x128xf32, #tpu.memory_space<vmem>>
    %dma_start3A_97 = tpu.memref_squeeze %dma_start3A_96 : memref<1x1x128x128xf32, #tpu.memory_space<vmem>> -> memref<128x128xf32, #tpu.memory_space<vmem>>
    %dma_start3A_98 = arith.constant 0 : i32
    %dma_start3A_99 = tpu.memref_slice %arg5[%dma_start3A_89, %dma_start3A_90, %dma_start3A_98] : memref<2x2x200xi32, #tpu.memory_space<vmem>> -> memref<1x1x128xi32, #tpu.memory_space<vmem>>
    %dma_start3A_100 = tpu.memref_squeeze %dma_start3A_99 : memref<1x1x128xi32, #tpu.memory_space<vmem>> -> memref<128xi32, #tpu.memory_space<vmem>>
    %dma_start3A_101 = arith.constant 0 : i32
    %dma_start3A_102 = arith.constant 0 : i32
    %dma_start3A_103 = tpu.memref_slice %arg3[%dma_start3A_101, %dma_start3A_102] : memref<1000000x128xf32, #tpu.memory_space<hbm>> -> memref<1000000x128xf32, #tpu.memory_space<hbm>>
    %dma_start3A_104 = tpu.memref_slice %arg8[%dma_start3A_93] : memref<2x!tpu.dma_semaphore, #tpu.memory_space<semaphore_mem>> -> memref<1x!tpu.dma_semaphore, #tpu.memory_space<semaphore_mem>>
    %dma_start3A_105 = tpu.memref_squeeze %dma_start3A_104 : memref<1x!tpu.dma_semaphore, #tpu.memory_space<semaphore_mem>> -> memref<!tpu.dma_semaphore, #tpu.memory_space<semaphore_mem>>
    tpu.enqueue_indirect_dma source(%dma_start3A_103 : memref<1000000x128xf32, #tpu.memory_space<hbm>>) target(%dma_start3A_97 : memref<128x128xf32, #tpu.memory_space<vmem>>) offsets(%dma_start3A_100 : memref<128xi32, #tpu.memory_space<vmem>>) semaphore(%dma_start3A_105 : memref<!tpu.dma_semaphore, #tpu.memory_space<semaphore_mem>>)
    %dma_start3A_106 = arith.constant 0 : i32
    %dma_start3A_107 = arith.constant 1 : i32
    %dma_start3A_108 = arith.constant 0 : i32
    %dma_start3A_109 = arith.constant 1 : i32
    %dma_start3A_110 = arith.constant 0 : i32
    %dma_start3A_111 = arith.constant 128 : i32
    %dma_start3A_112 = arith.constant 0 : i32
    %dma_start3A_113 = tpu.memref_slice %arg6[%dma_start3A_108, %dma_start3A_109, %dma_start3A_111, %dma_start3A_112] : memref<2x2x200x128xf32, #tpu.memory_space<vmem>> -> memref<1x1x72x128xf32, #tpu.memory_space<vmem>>
    %dma_start3A_114 = tpu.memref_squeeze %dma_start3A_113 : memref<1x1x72x128xf32, #tpu.memory_space<vmem>> -> memref<72x128xf32, #tpu.memory_space<vmem>>
    %dma_start3A_115 = arith.constant 128 : i32
    %dma_start3A_116 = tpu.memref_slice %arg5[%dma_start3A_106, %dma_start3A_107, %dma_start3A_115] : memref<2x2x200xi32, #tpu.memory_space<vmem>> -> memref<1x1x72xi32, #tpu.memory_space<vmem>>
    %dma_start3A_117 = tpu.memref_squeeze %dma_start3A_116 : memref<1x1x72xi32, #tpu.memory_space<vmem>> -> memref<72xi32, #tpu.memory_space<vmem>>
    %dma_start3A_118 = arith.constant 0 : i32
    %dma_start3A_119 = arith.constant 0 : i32
    %dma_start3A_120 = tpu.memref_slice %arg3[%dma_start3A_118, %dma_start3A_119] : memref<1000000x128xf32, #tpu.memory_space<hbm>> -> memref<1000000x128xf32, #tpu.memory_space<hbm>>
    %dma_start3A_121 = tpu.memref_slice %arg8[%dma_start3A_110] : memref<2x!tpu.dma_semaphore, #tpu.memory_space<semaphore_mem>> -> memref<1x!tpu.dma_semaphore, #tpu.memory_space<semaphore_mem>>
    %dma_start3A_122 = tpu.memref_squeeze %dma_start3A_121 : memref<1x!tpu.dma_semaphore, #tpu.memory_space<semaphore_mem>> -> memref<!tpu.dma_semaphore, #tpu.memory_space<semaphore_mem>>
    tpu.enqueue_indirect_dma source(%dma_start3A_120 : memref<1000000x128xf32, #tpu.memory_space<hbm>>) target(%dma_start3A_114 : memref<72x128xf32, #tpu.memory_space<vmem>>) offsets(%dma_start3A_117 : memref<72xi32, #tpu.memory_space<vmem>>) semaphore(%dma_start3A_122 : memref<!tpu.dma_semaphore, #tpu.memory_space<semaphore_mem>>)
    %dma_wait3A_123 = arith.constant 0 : i32
    %dma_wait3A_124 = arith.constant 0 : i32
    %dma_wait3A_125 = arith.constant 0 : i32
    %dma_wait3A_126 = arith.constant 0 : i32
    %dma_wait3A_127 = arith.constant 0 : i32
    %dma_wait3A_128 = arith.constant 0 : i32
    %dma_wait3A_129 = arith.constant 0 : i32
    %dma_wait3A_130 = tpu.memref_slice %arg6[%dma_wait3A_125, %dma_wait3A_126, %dma_wait3A_128, %dma_wait3A_129] : memref<2x2x200x128xf32, #tpu.memory_space<vmem>> -> memref<1x1x128x128xf32, #tpu.memory_space<vmem>>
    %dma_wait3A_131 = tpu.memref_squeeze %dma_wait3A_130 : memref<1x1x128x128xf32, #tpu.memory_space<vmem>> -> memref<128x128xf32, #tpu.memory_space<vmem>>
    %dma_wait3A_132 = arith.constant 0 : i32
    %dma_wait3A_133 = tpu.memref_slice %arg5[%dma_wait3A_123, %dma_wait3A_124, %dma_wait3A_132] : memref<2x2x200xi32, #tpu.memory_space<vmem>> -> memref<1x1x128xi32, #tpu.memory_space<vmem>>
    %dma_wait3A_134 = tpu.memref_squeeze %dma_wait3A_133 : memref<1x1x128xi32, #tpu.memory_space<vmem>> -> memref<128xi32, #tpu.memory_space<vmem>>
    %dma_wait3A_135 = arith.constant 0 : i32
    %dma_wait3A_136 = arith.constant 0 : i32
    %dma_wait3A_137 = tpu.memref_slice %arg3[%dma_wait3A_135, %dma_wait3A_136] : memref<1000000x128xf32, #tpu.memory_space<hbm>> -> memref<1000000x128xf32, #tpu.memory_space<hbm>>
    %dma_wait3A_138 = tpu.memref_slice %arg8[%dma_wait3A_127] : memref<2x!tpu.dma_semaphore, #tpu.memory_space<semaphore_mem>> -> memref<1x!tpu.dma_semaphore, #tpu.memory_space<semaphore_mem>>
    %dma_wait3A_139 = tpu.memref_squeeze %dma_wait3A_138 : memref<1x!tpu.dma_semaphore, #tpu.memory_space<semaphore_mem>> -> memref<!tpu.dma_semaphore, #tpu.memory_space<semaphore_mem>>
    tpu.wait_indirect_dma semaphore(%dma_wait3A_139 : memref<!tpu.dma_semaphore, #tpu.memory_space<semaphore_mem>>) src(%dma_wait3A_137 : memref<1000000x128xf32, #tpu.memory_space<hbm>>) dst(%dma_wait3A_131 : memref<128x128xf32, #tpu.memory_space<vmem>>)
    %dma_wait3A_140 = arith.constant 0 : i32
    %dma_wait3A_141 = arith.constant 0 : i32
    %dma_wait3A_142 = arith.constant 0 : i32
    %dma_wait3A_143 = arith.constant 0 : i32
    %dma_wait3A_144 = arith.constant 0 : i32
    %dma_wait3A_145 = arith.constant 128 : i32
    %dma_wait3A_146 = arith.constant 0 : i32
    %dma_wait3A_147 = tpu.memref_slice %arg6[%dma_wait3A_142, %dma_wait3A_143, %dma_wait3A_145, %dma_wait3A_146] : memref<2x2x200x128xf32, #tpu.memory_space<vmem>> -> memref<1x1x72x128xf32, #tpu.memory_space<vmem>>
    %dma_wait3A_148 = tpu.memref_squeeze %dma_wait3A_147 : memref<1x1x72x128xf32, #tpu.memory_space<vmem>> -> memref<72x128xf32, #tpu.memory_space<vmem>>
    %dma_wait3A_149 = arith.constant 128 : i32
    %dma_wait3A_150 = tpu.memref_slice %arg5[%dma_wait3A_140, %dma_wait3A_141, %dma_wait3A_149] : memref<2x2x200xi32, #tpu.memory_space<vmem>> -> memref<1x1x72xi32, #tpu.memory_space<vmem>>
    %dma_wait3A_151 = tpu.memref_squeeze %dma_wait3A_150 : memref<1x1x72xi32, #tpu.memory_space<vmem>> -> memref<72xi32, #tpu.memory_space<vmem>>
    %dma_wait3A_152 = arith.constant 0 : i32
    %dma_wait3A_153 = arith.constant 0 : i32
    %dma_wait3A_154 = tpu.memref_slice %arg3[%dma_wait3A_152, %dma_wait3A_153] : memref<1000000x128xf32, #tpu.memory_space<hbm>> -> memref<1000000x128xf32, #tpu.memory_space<hbm>>
    %dma_wait3A_155 = tpu.memref_slice %arg8[%dma_wait3A_144] : memref<2x!tpu.dma_semaphore, #tpu.memory_space<semaphore_mem>> -> memref<1x!tpu.dma_semaphore, #tpu.memory_space<semaphore_mem>>
    %dma_wait3A_156 = tpu.memref_squeeze %dma_wait3A_155 : memref<1x!tpu.dma_semaphore, #tpu.memory_space<semaphore_mem>> -> memref<!tpu.dma_semaphore, #tpu.memory_space<semaphore_mem>>
    tpu.wait_indirect_dma semaphore(%dma_wait3A_156 : memref<!tpu.dma_semaphore, #tpu.memory_space<semaphore_mem>>) src(%dma_wait3A_154 : memref<1000000x128xf32, #tpu.memory_space<hbm>>) dst(%dma_wait3A_148 : memref<72x128xf32, #tpu.memory_space<vmem>>)
    %dma_wait3A_157 = arith.constant 0 : i32
    %dma_wait3A_158 = arith.constant 1 : i32
    %dma_wait3A_159 = arith.constant 0 : i32
    %dma_wait3A_160 = arith.constant 1 : i32
    %dma_wait3A_161 = arith.constant 0 : i32
    %dma_wait3A_162 = arith.constant 0 : i32
    %dma_wait3A_163 = arith.constant 0 : i32
    %dma_wait3A_164 = tpu.memref_slice %arg6[%dma_wait3A_159, %dma_wait3A_160, %dma_wait3A_162, %dma_wait3A_163] : memref<2x2x200x128xf32, #tpu.memory_space<vmem>> -> memref<1x1x128x128xf32, #tpu.memory_space<vmem>>
    %dma_wait3A_165 = tpu.memref_squeeze %dma_wait3A_164 : memref<1x1x128x128xf32, #tpu.memory_space<vmem>> -> memref<128x128xf32, #tpu.memory_space<vmem>>
    %dma_wait3A_166 = arith.constant 0 : i32
    %dma_wait3A_167 = tpu.memref_slice %arg5[%dma_wait3A_157, %dma_wait3A_158, %dma_wait3A_166] : memref<2x2x200xi32, #tpu.memory_space<vmem>> -> memref<1x1x128xi32, #tpu.memory_space<vmem>>
    %dma_wait3A_168 = tpu.memref_squeeze %dma_wait3A_167 : memref<1x1x128xi32, #tpu.memory_space<vmem>> -> memref<128xi32, #tpu.memory_space<vmem>>
    %dma_wait3A_169 = arith.constant 0 : i32
    %dma_wait3A_170 = arith.constant 0 : i32
    %dma_wait3A_171 = tpu.memref_slice %arg3[%dma_wait3A_169, %dma_wait3A_170] : memref<1000000x128xf32, #tpu.memory_space<hbm>> -> memref<1000000x128xf32, #tpu.memory_space<hbm>>
    %dma_wait3A_172 = tpu.memref_slice %arg8[%dma_wait3A_161] : memref<2x!tpu.dma_semaphore, #tpu.memory_space<semaphore_mem>> -> memref<1x!tpu.dma_semaphore, #tpu.memory_space<semaphore_mem>>
    %dma_wait3A_173 = tpu.memref_squeeze %dma_wait3A_172 : memref<1x!tpu.dma_semaphore, #tpu.memory_space<semaphore_mem>> -> memref<!tpu.dma_semaphore, #tpu.memory_space<semaphore_mem>>
    tpu.wait_indirect_dma semaphore(%dma_wait3A_173 : memref<!tpu.dma_semaphore, #tpu.memory_space<semaphore_mem>>) src(%dma_wait3A_171 : memref<1000000x128xf32, #tpu.memory_space<hbm>>) dst(%dma_wait3A_165 : memref<128x128xf32, #tpu.memory_space<vmem>>)
    %dma_wait3A_174 = arith.constant 0 : i32
    %dma_wait3A_175 = arith.constant 1 : i32
    %dma_wait3A_176 = arith.constant 0 : i32
    %dma_wait3A_177 = arith.constant 1 : i32
    %dma_wait3A_178 = arith.constant 0 : i32
    %dma_wait3A_179 = arith.constant 128 : i32
    %dma_wait3A_180 = arith.constant 0 : i32
    %dma_wait3A_181 = tpu.memref_slice %arg6[%dma_wait3A_176, %dma_wait3A_177, %dma_wait3A_179, %dma_wait3A_180] : memref<2x2x200x128xf32, #tpu.memory_space<vmem>> -> memref<1x1x72x128xf32, #tpu.memory_space<vmem>>
    %dma_wait3A_182 = tpu.memref_squeeze %dma_wait3A_181 : memref<1x1x72x128xf32, #tpu.memory_space<vmem>> -> memref<72x128xf32, #tpu.memory_space<vmem>>
    %dma_wait3A_183 = arith.constant 128 : i32
    %dma_wait3A_184 = tpu.memref_slice %arg5[%dma_wait3A_174, %dma_wait3A_175, %dma_wait3A_183] : memref<2x2x200xi32, #tpu.memory_space<vmem>> -> memref<1x1x72xi32, #tpu.memory_space<vmem>>
    %dma_wait3A_185 = tpu.memref_squeeze %dma_wait3A_184 : memref<1x1x72xi32, #tpu.memory_space<vmem>> -> memref<72xi32, #tpu.memory_space<vmem>>
    %dma_wait3A_186 = arith.constant 0 : i32
    %dma_wait3A_187 = arith.constant 0 : i32
    %dma_wait3A_188 = tpu.memref_slice %arg3[%dma_wait3A_186, %dma_wait3A_187] : memref<1000000x128xf32, #tpu.memory_space<hbm>> -> memref<1000000x128xf32, #tpu.memory_space<hbm>>
    %dma_wait3A_189 = tpu.memref_slice %arg8[%dma_wait3A_178] : memref<2x!tpu.dma_semaphore, #tpu.memory_space<semaphore_mem>> -> memref<1x!tpu.dma_semaphore, #tpu.memory_space<semaphore_mem>>
    %dma_wait3A_190 = tpu.memref_squeeze %dma_wait3A_189 : memref<1x!tpu.dma_semaphore, #tpu.memory_space<semaphore_mem>> -> memref<!tpu.dma_semaphore, #tpu.memory_space<semaphore_mem>>
    tpu.wait_indirect_dma semaphore(%dma_wait3A_190 : memref<!tpu.dma_semaphore, #tpu.memory_space<semaphore_mem>>) src(%dma_wait3A_188 : memref<1000000x128xf32, #tpu.memory_space<hbm>>) dst(%dma_wait3A_182 : memref<72x128xf32, #tpu.memory_space<vmem>>)
    %add3A_191 = arith.constant 0 : i32
    %add3A_192 = arith.addi %mul3A_2, %add3A_191 : i32
    %dma_start3A_193 = arith.constant 0 : i32
    %dma_start3A_194 = arith.constant 0 : i32
    %dma_start3A_195 = arith.constant 0 : i32
    %dma_start3A_196 = arith.constant 0 : i32
    %dma_start3A_197 = arith.constant 0 : i32
    %dma_start3A_198 = tpu.memref_slice %arg6[%dma_start3A_193, %dma_start3A_195, %dma_start3A_196, %dma_start3A_197] : memref<2x2x200x128xf32, #tpu.memory_space<vmem>> -> memref<1x2x200x128xf32, #tpu.memory_space<vmem>>
    %dma_start3A_199 = tpu.memref_squeeze %dma_start3A_198 : memref<1x2x200x128xf32, #tpu.memory_space<vmem>> -> memref<2x200x128xf32, #tpu.memory_space<vmem>>
    %dma_start3A_200 = arith.constant 0 : i32
    %dma_start3A_201 = arith.constant 0 : i32
    %dma_start3A_202 = tpu.memref_slice %arg4[%add3A_192, %dma_start3A_200, %dma_start3A_201] : memref<4096x200x128xf32, #tpu.memory_space<hbm>> -> memref<2x200x128xf32, #tpu.memory_space<hbm>>
    %dma_start3A_203 = tpu.memref_slice %arg9[%dma_start3A_194] : memref<2x!tpu.dma_semaphore, #tpu.memory_space<semaphore_mem>> -> memref<1x!tpu.dma_semaphore, #tpu.memory_space<semaphore_mem>>
    %dma_start3A_204 = tpu.memref_squeeze %dma_start3A_203 : memref<1x!tpu.dma_semaphore, #tpu.memory_space<semaphore_mem>> -> memref<!tpu.dma_semaphore, #tpu.memory_space<semaphore_mem>>
    %dma_start3A_205 = arith.constant 0 : i32
    %dma_start3A_206 = arith.constant 0 : i32
    %dma_start3A_207 = tpu.memref_slice %arg4[%add3A_192, %dma_start3A_205, %dma_start3A_206] : memref<4096x200x128xf32, #tpu.memory_space<hbm>> -> memref<2x200x128xf32, #tpu.memory_space<hbm>>
    %dma_start3A_208 = arith.constant 0 : i32
    %dma_start3A_209 = arith.constant 0 : i32
    %dma_start3A_210 = arith.constant 0 : i32
    %dma_start3A_211 = tpu.memref_slice %arg6[%dma_start3A_193, %dma_start3A_208, %dma_start3A_209, %dma_start3A_210] : memref<2x2x200x128xf32, #tpu.memory_space<vmem>> -> memref<1x2x200x128xf32, #tpu.memory_space<vmem>>
    %dma_start3A_212 = tpu.memref_squeeze %dma_start3A_211 : memref<1x2x200x128xf32, #tpu.memory_space<vmem>> -> memref<2x200x128xf32, #tpu.memory_space<vmem>>
    tpu.enqueue_dma source(%dma_start3A_212 : memref<2x200x128xf32, #tpu.memory_space<vmem>>) target(%dma_start3A_207 : memref<2x200x128xf32, #tpu.memory_space<hbm>>) target_semaphore(%dma_start3A_204 : memref<!tpu.dma_semaphore, #tpu.memory_space<semaphore_mem>>)
    %min3A = arith.constant 2 : i32
    %min3A_213 = arith.constant 63 : i32
    %min3A_214 = arith.minsi %min3A, %min3A_213 : i32
    %mul3A_215 = arith.constant 2 : i32
    %mul3A_216 = arith.muli %min3A_214, %mul3A_215 : i32
    %add3A_217 = arith.addi %mul3A_2, %mul3A_216 : i32
    %dma_start3A_218 = arith.constant 0 : i32
    %dma_start3A_219 = arith.constant 0 : i32
    %dma_start3A_220 = arith.constant 0 : i32
    %dma_start3A_221 = arith.constant 0 : i32
    %dma_start3A_222 = tpu.memref_slice %arg5[%dma_start3A_218, %dma_start3A_220, %dma_start3A_221] : memref<2x2x200xi32, #tpu.memory_space<vmem>> -> memref<1x2x200xi32, #tpu.memory_space<vmem>>
    %dma_start3A_223 = tpu.memref_squeeze %dma_start3A_222 : memref<1x2x200xi32, #tpu.memory_space<vmem>> -> memref<2x200xi32, #tpu.memory_space<vmem>>
    %dma_start3A_224 = arith.constant 0 : i32
    %dma_start3A_225 = tpu.memref_slice %arg2[%add3A_217, %dma_start3A_224] : memref<4096x200xi32, #tpu.memory_space<hbm>> -> memref<2x200xi32, #tpu.memory_space<hbm>>
    %dma_start3A_226 = tpu.memref_slice %arg7[%dma_start3A_219] : memref<2x!tpu.dma_semaphore, #tpu.memory_space<semaphore_mem>> -> memref<1x!tpu.dma_semaphore, #tpu.memory_space<semaphore_mem>>
    %dma_start3A_227 = tpu.memref_squeeze %dma_start3A_226 : memref<1x!tpu.dma_semaphore, #tpu.memory_space<semaphore_mem>> -> memref<!tpu.dma_semaphore, #tpu.memory_space<semaphore_mem>>
    %dma_start3A_228 = arith.constant 0 : i32
    %dma_start3A_229 = arith.constant 0 : i32
    %dma_start3A_230 = tpu.memref_slice %arg5[%dma_start3A_218, %dma_start3A_228, %dma_start3A_229] : memref<2x2x200xi32, #tpu.memory_space<vmem>> -> memref<1x2x200xi32, #tpu.memory_space<vmem>>
    %dma_start3A_231 = tpu.memref_squeeze %dma_start3A_230 : memref<1x2x200xi32, #tpu.memory_space<vmem>> -> memref<2x200xi32, #tpu.memory_space<vmem>>
    %dma_start3A_232 = arith.constant 0 : i32
    %dma_start3A_233 = tpu.memref_slice %arg2[%add3A_217, %dma_start3A_232] : memref<4096x200xi32, #tpu.memory_space<hbm>> -> memref<2x200xi32, #tpu.memory_space<hbm>>
    tpu.enqueue_dma source(%dma_start3A_233 : memref<2x200xi32, #tpu.memory_space<hbm>>) target(%dma_start3A_231 : memref<2x200xi32, #tpu.memory_space<vmem>>) target_semaphore(%dma_start3A_227 : memref<!tpu.dma_semaphore, #tpu.memory_space<semaphore_mem>>)
    %add3A_234 = arith.constant 2 : i32
    %add3A_235 = arith.addi %mul3A_2, %add3A_234 : i32
    %dma_wait3A_236 = arith.constant 1 : i32
    %dma_wait3A_237 = arith.constant 1 : i32
    %dma_wait3A_238 = arith.constant 0 : i32
    %dma_wait3A_239 = arith.constant 0 : i32
    %dma_wait3A_240 = tpu.memref_slice %arg5[%dma_wait3A_236, %dma_wait3A_238, %dma_wait3A_239] : memref<2x2x200xi32, #tpu.memory_space<vmem>> -> memref<1x2x200xi32, #tpu.memory_space<vmem>>
    %dma_wait3A_241 = tpu.memref_squeeze %dma_wait3A_240 : memref<1x2x200xi32, #tpu.memory_space<vmem>> -> memref<2x200xi32, #tpu.memory_space<vmem>>
    %dma_wait3A_242 = arith.constant 0 : i32
    %dma_wait3A_243 = tpu.memref_slice %arg2[%add3A_235, %dma_wait3A_242] : memref<4096x200xi32, #tpu.memory_space<hbm>> -> memref<2x200xi32, #tpu.memory_space<hbm>>
    %dma_wait3A_244 = tpu.memref_slice %arg7[%dma_wait3A_237] : memref<2x!tpu.dma_semaphore, #tpu.memory_space<semaphore_mem>> -> memref<1x!tpu.dma_semaphore, #tpu.memory_space<semaphore_mem>>
    %dma_wait3A_245 = tpu.memref_squeeze %dma_wait3A_244 : memref<1x!tpu.dma_semaphore, #tpu.memory_space<semaphore_mem>> -> memref<!tpu.dma_semaphore, #tpu.memory_space<semaphore_mem>>
    %dma_wait3A_246 = arith.constant 0 : i32
    %dma_wait3A_247 = arith.constant 0 : i32
    %dma_wait3A_248 = tpu.memref_slice %arg5[%dma_wait3A_236, %dma_wait3A_246, %dma_wait3A_247] : memref<2x2x200xi32, #tpu.memory_space<vmem>> -> memref<1x2x200xi32, #tpu.memory_space<vmem>>
    %dma_wait3A_249 = tpu.memref_squeeze %dma_wait3A_248 : memref<1x2x200xi32, #tpu.memory_space<vmem>> -> memref<2x200xi32, #tpu.memory_space<vmem>>
    %dma_wait3A_250 = arith.constant 0 : i32
    %dma_wait3A_251 = tpu.memref_slice %arg2[%add3A_235, %dma_wait3A_250] : memref<4096x200xi32, #tpu.memory_space<hbm>> -> memref<2x200xi32, #tpu.memory_space<hbm>>
    tpu.wait_dma2 semaphore(%dma_wait3A_245 : memref<!tpu.dma_semaphore, #tpu.memory_space<semaphore_mem>>) src(%dma_wait3A_251 : memref<2x200xi32, #tpu.memory_space<hbm>>) dst(%dma_wait3A_249 : memref<2x200xi32, #tpu.memory_space<vmem>>)
    %dma_start3A_252 = arith.constant 1 : i32
    %dma_start3A_253 = arith.constant 0 : i32
    %dma_start3A_254 = arith.constant 1 : i32
    %dma_start3A_255 = arith.constant 0 : i32
    %dma_start3A_256 = arith.constant 1 : i32
    %dma_start3A_257 = arith.constant 0 : i32
    %dma_start3A_258 = arith.constant 0 : i32
    %dma_start3A_259 = tpu.memref_slice %arg6[%dma_start3A_254, %dma_start3A_255, %dma_start3A_257, %dma_start3A_258] : memref<2x2x200x128xf32, #tpu.memory_space<vmem>> -> memref<1x1x128x128xf32, #tpu.memory_space<vmem>>
    %dma_start3A_260 = tpu.memref_squeeze %dma_start3A_259 : memref<1x1x128x128xf32, #tpu.memory_space<vmem>> -> memref<128x128xf32, #tpu.memory_space<vmem>>
    %dma_start3A_261 = arith.constant 0 : i32
    %dma_start3A_262 = tpu.memref_slice %arg5[%dma_start3A_252, %dma_start3A_253, %dma_start3A_261] : memref<2x2x200xi32, #tpu.memory_space<vmem>> -> memref<1x1x128xi32, #tpu.memory_space<vmem>>
    %dma_start3A_263 = tpu.memref_squeeze %dma_start3A_262 : memref<1x1x128xi32, #tpu.memory_space<vmem>> -> memref<128xi32, #tpu.memory_space<vmem>>
    %dma_start3A_264 = arith.constant 0 : i32
    %dma_start3A_265 = arith.constant 0 : i32
    %dma_start3A_266 = tpu.memref_slice %arg3[%dma_start3A_264, %dma_start3A_265] : memref<1000000x128xf32, #tpu.memory_space<hbm>> -> memref<1000000x128xf32, #tpu.memory_space<hbm>>
    %dma_start3A_267 = tpu.memref_slice %arg8[%dma_start3A_256] : memref<2x!tpu.dma_semaphore, #tpu.memory_space<semaphore_mem>> -> memref<1x!tpu.dma_semaphore, #tpu.memory_space<semaphore_mem>>
    %dma_start3A_268 = tpu.memref_squeeze %dma_start3A_267 : memref<1x!tpu.dma_semaphore, #tpu.memory_space<semaphore_mem>> -> memref<!tpu.dma_semaphore, #tpu.memory_space<semaphore_mem>>
    tpu.enqueue_indirect_dma source(%dma_start3A_266 : memref<1000000x128xf32, #tpu.memory_space<hbm>>) target(%dma_start3A_260 : memref<128x128xf32, #tpu.memory_space<vmem>>) offsets(%dma_start3A_263 : memref<128xi32, #tpu.memory_space<vmem>>) semaphore(%dma_start3A_268 : memref<!tpu.dma_semaphore, #tpu.memory_space<semaphore_mem>>)
    %dma_start3A_269 = arith.constant 1 : i32
    %dma_start3A_270 = arith.constant 0 : i32
    %dma_start3A_271 = arith.constant 1 : i32
    %dma_start3A_272 = arith.constant 0 : i32
    %dma_start3A_273 = arith.constant 1 : i32
    %dma_start3A_274 = arith.constant 128 : i32
    %dma_start3A_275 = arith.constant 0 : i32
    %dma_start3A_276 = tpu.memref_slice %arg6[%dma_start3A_271, %dma_start3A_272, %dma_start3A_274, %dma_start3A_275] : memref<2x2x200x128xf32, #tpu.memory_space<vmem>> -> memref<1x1x72x128xf32, #tpu.memory_space<vmem>>
    %dma_start3A_277 = tpu.memref_squeeze %dma_start3A_276 : memref<1x1x72x128xf32, #tpu.memory_space<vmem>> -> memref<72x128xf32, #tpu.memory_space<vmem>>
    %dma_start3A_278 = arith.constant 128 : i32
    %dma_start3A_279 = tpu.memref_slice %arg5[%dma_start3A_269, %dma_start3A_270, %dma_start3A_278] : memref<2x2x200xi32, #tpu.memory_space<vmem>> -> memref<1x1x72xi32, #tpu.memory_space<vmem>>
    %dma_start3A_280 = tpu.memref_squeeze %dma_start3A_279 : memref<1x1x72xi32, #tpu.memory_space<vmem>> -> memref<72xi32, #tpu.memory_space<vmem>>
    %dma_start3A_281 = arith.constant 0 : i32
    %dma_start3A_282 = arith.constant 0 : i32
    %dma_start3A_283 = tpu.memref_slice %arg3[%dma_start3A_281, %dma_start3A_282] : memref<1000000x128xf32, #tpu.memory_space<hbm>> -> memref<1000000x128xf32, #tpu.memory_space<hbm>>
    %dma_start3A_284 = tpu.memref_slice %arg8[%dma_start3A_273] : memref<2x!tpu.dma_semaphore, #tpu.memory_space<semaphore_mem>> -> memref<1x!tpu.dma_semaphore, #tpu.memory_space<semaphore_mem>>
    %dma_start3A_285 = tpu.memref_squeeze %dma_start3A_284 : memref<1x!tpu.dma_semaphore, #tpu.memory_space<semaphore_mem>> -> memref<!tpu.dma_semaphore, #tpu.memory_space<semaphore_mem>>
    tpu.enqueue_indirect_dma source(%dma_start3A_283 : memref<1000000x128xf32, #tpu.memory_space<hbm>>) target(%dma_start3A_277 : memref<72x128xf32, #tpu.memory_space<vmem>>) offsets(%dma_start3A_280 : memref<72xi32, #tpu.memory_space<vmem>>) semaphore(%dma_start3A_285 : memref<!tpu.dma_semaphore, #tpu.memory_space<semaphore_mem>>)
    %dma_start3A_286 = arith.constant 1 : i32
    %dma_start3A_287 = arith.constant 1 : i32
    %dma_start3A_288 = arith.constant 1 : i32
    %dma_start3A_289 = arith.constant 1 : i32
    %dma_start3A_290 = arith.constant 1 : i32
    %dma_start3A_291 = arith.constant 0 : i32
    %dma_start3A_292 = arith.constant 0 : i32
    %dma_start3A_293 = tpu.memref_slice %arg6[%dma_start3A_288, %dma_start3A_289, %dma_start3A_291, %dma_start3A_292] : memref<2x2x200x128xf32, #tpu.memory_space<vmem>> -> memref<1x1x128x128xf32, #tpu.memory_space<vmem>>
    %dma_start3A_294 = tpu.memref_squeeze %dma_start3A_293 : memref<1x1x128x128xf32, #tpu.memory_space<vmem>> -> memref<128x128xf32, #tpu.memory_space<vmem>>
    %dma_start3A_295 = arith.constant 0 : i32
    %dma_start3A_296 = tpu.memref_slice %arg5[%dma_start3A_286, %dma_start3A_287, %dma_start3A_295] : memref<2x2x200xi32, #tpu.memory_space<vmem>> -> memref<1x1x128xi32, #tpu.memory_space<vmem>>
    %dma_start3A_297 = tpu.memref_squeeze %dma_start3A_296 : memref<1x1x128xi32, #tpu.memory_space<vmem>> -> memref<128xi32, #tpu.memory_space<vmem>>
    %dma_start3A_298 = arith.constant 0 : i32
    %dma_start3A_299 = arith.constant 0 : i32
    %dma_start3A_300 = tpu.memref_slice %arg3[%dma_start3A_298, %dma_start3A_299] : memref<1000000x128xf32, #tpu.memory_space<hbm>> -> memref<1000000x128xf32, #tpu.memory_space<hbm>>
    %dma_start3A_301 = tpu.memref_slice %arg8[%dma_start3A_290] : memref<2x!tpu.dma_semaphore, #tpu.memory_space<semaphore_mem>> -> memref<1x!tpu.dma_semaphore, #tpu.memory_space<semaphore_mem>>
    %dma_start3A_302 = tpu.memref_squeeze %dma_start3A_301 : memref<1x!tpu.dma_semaphore, #tpu.memory_space<semaphore_mem>> -> memref<!tpu.dma_semaphore, #tpu.memory_space<semaphore_mem>>
    tpu.enqueue_indirect_dma source(%dma_start3A_300 : memref<1000000x128xf32, #tpu.memory_space<hbm>>) target(%dma_start3A_294 : memref<128x128xf32, #tpu.memory_space<vmem>>) offsets(%dma_start3A_297 : memref<128xi32, #tpu.memory_space<vmem>>) semaphore(%dma_start3A_302 : memref<!tpu.dma_semaphore, #tpu.memory_space<semaphore_mem>>)
    %dma_start3A_303 = arith.constant 1 : i32
    %dma_start3A_304 = arith.constant 1 : i32
    %dma_start3A_305 = arith.constant 1 : i32
    %dma_start3A_306 = arith.constant 1 : i32
    %dma_start3A_307 = arith.constant 1 : i32
    %dma_start3A_308 = arith.constant 128 : i32
    %dma_start3A_309 = arith.constant 0 : i32
    %dma_start3A_310 = tpu.memref_slice %arg6[%dma_start3A_305, %dma_start3A_306, %dma_start3A_308, %dma_start3A_309] : memref<2x2x200x128xf32, #tpu.memory_space<vmem>> -> memref<1x1x72x128xf32, #tpu.memory_space<vmem>>
    %dma_start3A_311 = tpu.memref_squeeze %dma_start3A_310 : memref<1x1x72x128xf32, #tpu.memory_space<vmem>> -> memref<72x128xf32, #tpu.memory_space<vmem>>
    %dma_start3A_312 = arith.constant 128 : i32
    %dma_start3A_313 = tpu.memref_slice %arg5[%dma_start3A_303, %dma_start3A_304, %dma_start3A_312] : memref<2x2x200xi32, #tpu.memory_space<vmem>> -> memref<1x1x72xi32, #tpu.memory_space<vmem>>
    %dma_start3A_314 = tpu.memref_squeeze %dma_start3A_313 : memref<1x1x72xi32, #tpu.memory_space<vmem>> -> memref<72xi32, #tpu.memory_space<vmem>>
    %dma_start3A_315 = arith.constant 0 : i32
    %dma_start3A_316 = arith.constant 0 : i32
    %dma_start3A_317 = tpu.memref_slice %arg3[%dma_start3A_315, %dma_start3A_316] : memref<1000000x128xf32, #tpu.memory_space<hbm>> -> memref<1000000x128xf32, #tpu.memory_space<hbm>>
    %dma_start3A_318 = tpu.memref_slice %arg8[%dma_start3A_307] : memref<2x!tpu.dma_semaphore, #tpu.memory_space<semaphore_mem>> -> memref<1x!tpu.dma_semaphore, #tpu.memory_space<semaphore_mem>>
    %dma_start3A_319 = tpu.memref_squeeze %dma_start3A_318 : memref<1x!tpu.dma_semaphore, #tpu.memory_space<semaphore_mem>> -> memref<!tpu.dma_semaphore, #tpu.memory_space<semaphore_mem>>
    tpu.enqueue_indirect_dma source(%dma_start3A_317 : memref<1000000x128xf32, #tpu.memory_space<hbm>>) target(%dma_start3A_311 : memref<72x128xf32, #tpu.memory_space<vmem>>) offsets(%dma_start3A_314 : memref<72xi32, #tpu.memory_space<vmem>>) semaphore(%dma_start3A_319 : memref<!tpu.dma_semaphore, #tpu.memory_space<semaphore_mem>>)
    %scan3A = arith.constant 0 : i32
    %scan3A_320 = arith.constant 0 : i32
    %scan3A_321 = arith.constant 31 : i32
    %scan3A_322 = arith.addi %scan3A_320, %scan3A_321 : i32
    %scan3A_323 = arith.constant 1 : i32
    scf.for %scan3A_477 = %scan3A_320 to %scan3A_322 step %scan3A_323  : i32 {
      %mul3A_478 = arith.constant 2 : i32
      %mul3A_479 = arith.muli %mul3A_478, %scan3A_477 : i32
      %add3A_480 = arith.constant 1 : i32
      %add3A_481 = arith.addi %add3A_480, %mul3A_479 : i32
      %dma_wait3A_482 = arith.constant 1 : i32
      %dma_wait3A_483 = arith.constant 0 : i32
      %dma_wait3A_484 = arith.constant 1 : i32
      %dma_wait3A_485 = arith.constant 0 : i32
      %dma_wait3A_486 = arith.constant 1 : i32
      %dma_wait3A_487 = arith.constant 0 : i32
      %dma_wait3A_488 = arith.constant 0 : i32
      %dma_wait3A_489 = tpu.memref_slice %arg6[%dma_wait3A_484, %dma_wait3A_485, %dma_wait3A_487, %dma_wait3A_488] : memref<2x2x200x128xf32, #tpu.memory_space<vmem>> -> memref<1x1x128x128xf32, #tpu.memory_space<vmem>>
      %dma_wait3A_490 = tpu.memref_squeeze %dma_wait3A_489 : memref<1x1x128x128xf32, #tpu.memory_space<vmem>> -> memref<128x128xf32, #tpu.memory_space<vmem>>
      %dma_wait3A_491 = arith.constant 0 : i32
      %dma_wait3A_492 = tpu.memref_slice %arg5[%dma_wait3A_482, %dma_wait3A_483, %dma_wait3A_491] : memref<2x2x200xi32, #tpu.memory_space<vmem>> -> memref<1x1x128xi32, #tpu.memory_space<vmem>>
      %dma_wait3A_493 = tpu.memref_squeeze %dma_wait3A_492 : memref<1x1x128xi32, #tpu.memory_space<vmem>> -> memref<128xi32, #tpu.memory_space<vmem>>
      %dma_wait3A_494 = arith.constant 0 : i32
      %dma_wait3A_495 = arith.constant 0 : i32
      %dma_wait3A_496 = tpu.memref_slice %arg3[%dma_wait3A_494, %dma_wait3A_495] : memref<1000000x128xf32, #tpu.memory_space<hbm>> -> memref<1000000x128xf32, #tpu.memory_space<hbm>>
      %dma_wait3A_497 = tpu.memref_slice %arg8[%dma_wait3A_486] : memref<2x!tpu.dma_semaphore, #tpu.memory_space<semaphore_mem>> -> memref<1x!tpu.dma_semaphore, #tpu.memory_space<semaphore_mem>>
      %dma_wait3A_498 = tpu.memref_squeeze %dma_wait3A_497 : memref<1x!tpu.dma_semaphore, #tpu.memory_space<semaphore_mem>> -> memref<!tpu.dma_semaphore, #tpu.memory_space<semaphore_mem>>
      tpu.wait_indirect_dma semaphore(%dma_wait3A_498 : memref<!tpu.dma_semaphore, #tpu.memory_space<semaphore_mem>>) src(%dma_wait3A_496 : memref<1000000x128xf32, #tpu.memory_space<hbm>>) dst(%dma_wait3A_490 : memref<128x128xf32, #tpu.memory_space<vmem>>)
      %dma_wait3A_499 = arith.constant 1 : i32
      %dma_wait3A_500 = arith.constant 0 : i32
      %dma_wait3A_501 = arith.constant 1 : i32
      %dma_wait3A_502 = arith.constant 0 : i32
      %dma_wait3A_503 = arith.constant 1 : i32
      %dma_wait3A_504 = arith.constant 128 : i32
      %dma_wait3A_505 = arith.constant 0 : i32
      %dma_wait3A_506 = tpu.memref_slice %arg6[%dma_wait3A_501, %dma_wait3A_502, %dma_wait3A_504, %dma_wait3A_505] : memref<2x2x200x128xf32, #tpu.memory_space<vmem>> -> memref<1x1x72x128xf32, #tpu.memory_space<vmem>>
      %dma_wait3A_507 = tpu.memref_squeeze %dma_wait3A_506 : memref<1x1x72x128xf32, #tpu.memory_space<vmem>> -> memref<72x128xf32, #tpu.memory_space<vmem>>
      %dma_wait3A_508 = arith.constant 128 : i32
      %dma_wait3A_509 = tpu.memref_slice %arg5[%dma_wait3A_499, %dma_wait3A_500, %dma_wait3A_508] : memref<2x2x200xi32, #tpu.memory_space<vmem>> -> memref<1x1x72xi32, #tpu.memory_space<vmem>>
      %dma_wait3A_510 = tpu.memref_squeeze %dma_wait3A_509 : memref<1x1x72xi32, #tpu.memory_space<vmem>> -> memref<72xi32, #tpu.memory_space<vmem>>
      %dma_wait3A_511 = arith.constant 0 : i32
      %dma_wait3A_512 = arith.constant 0 : i32
      %dma_wait3A_513 = tpu.memref_slice %arg3[%dma_wait3A_511, %dma_wait3A_512] : memref<1000000x128xf32, #tpu.memory_space<hbm>> -> memref<1000000x128xf32, #tpu.memory_space<hbm>>
      %dma_wait3A_514 = tpu.memref_slice %arg8[%dma_wait3A_503] : memref<2x!tpu.dma_semaphore, #tpu.memory_space<semaphore_mem>> -> memref<1x!tpu.dma_semaphore, #tpu.memory_space<semaphore_mem>>
      %dma_wait3A_515 = tpu.memref_squeeze %dma_wait3A_514 : memref<1x!tpu.dma_semaphore, #tpu.memory_space<semaphore_mem>> -> memref<!tpu.dma_semaphore, #tpu.memory_space<semaphore_mem>>
      tpu.wait_indirect_dma semaphore(%dma_wait3A_515 : memref<!tpu.dma_semaphore, #tpu.memory_space<semaphore_mem>>) src(%dma_wait3A_513 : memref<1000000x128xf32, #tpu.memory_space<hbm>>) dst(%dma_wait3A_507 : memref<72x128xf32, #tpu.memory_space<vmem>>)
      %dma_wait3A_516 = arith.constant 1 : i32
      %dma_wait3A_517 = arith.constant 1 : i32
      %dma_wait3A_518 = arith.constant 1 : i32
      %dma_wait3A_519 = arith.constant 1 : i32
      %dma_wait3A_520 = arith.constant 1 : i32
      %dma_wait3A_521 = arith.constant 0 : i32
      %dma_wait3A_522 = arith.constant 0 : i32
      %dma_wait3A_523 = tpu.memref_slice %arg6[%dma_wait3A_518, %dma_wait3A_519, %dma_wait3A_521, %dma_wait3A_522] : memref<2x2x200x128xf32, #tpu.memory_space<vmem>> -> memref<1x1x128x128xf32, #tpu.memory_space<vmem>>
      %dma_wait3A_524 = tpu.memref_squeeze %dma_wait3A_523 : memref<1x1x128x128xf32, #tpu.memory_space<vmem>> -> memref<128x128xf32, #tpu.memory_space<vmem>>
      %dma_wait3A_525 = arith.constant 0 : i32
      %dma_wait3A_526 = tpu.memref_slice %arg5[%dma_wait3A_516, %dma_wait3A_517, %dma_wait3A_525] : memref<2x2x200xi32, #tpu.memory_space<vmem>> -> memref<1x1x128xi32, #tpu.memory_space<vmem>>
      %dma_wait3A_527 = tpu.memref_squeeze %dma_wait3A_526 : memref<1x1x128xi32, #tpu.memory_space<vmem>> -> memref<128xi32, #tpu.memory_space<vmem>>
      %dma_wait3A_528 = arith.constant 0 : i32
      %dma_wait3A_529 = arith.constant 0 : i32
      %dma_wait3A_530 = tpu.memref_slice %arg3[%dma_wait3A_528, %dma_wait3A_529] : memref<1000000x128xf32, #tpu.memory_space<hbm>> -> memref<1000000x128xf32, #tpu.memory_space<hbm>>
      %dma_wait3A_531 = tpu.memref_slice %arg8[%dma_wait3A_520] : memref<2x!tpu.dma_semaphore, #tpu.memory_space<semaphore_mem>> -> memref<1x!tpu.dma_semaphore, #tpu.memory_space<semaphore_mem>>
      %dma_wait3A_532 = tpu.memref_squeeze %dma_wait3A_531 : memref<1x!tpu.dma_semaphore, #tpu.memory_space<semaphore_mem>> -> memref<!tpu.dma_semaphore, #tpu.memory_space<semaphore_mem>>
      tpu.wait_indirect_dma semaphore(%dma_wait3A_532 : memref<!tpu.dma_semaphore, #tpu.memory_space<semaphore_mem>>) src(%dma_wait3A_530 : memref<1000000x128xf32, #tpu.memory_space<hbm>>) dst(%dma_wait3A_524 : memref<128x128xf32, #tpu.memory_space<vmem>>)
      %dma_wait3A_533 = arith.constant 1 : i32
      %dma_wait3A_534 = arith.constant 1 : i32
      %dma_wait3A_535 = arith.constant 1 : i32
      %dma_wait3A_536 = arith.constant 1 : i32
      %dma_wait3A_537 = arith.constant 1 : i32
      %dma_wait3A_538 = arith.constant 128 : i32
      %dma_wait3A_539 = arith.constant 0 : i32
      %dma_wait3A_540 = tpu.memref_slice %arg6[%dma_wait3A_535, %dma_wait3A_536, %dma_wait3A_538, %dma_wait3A_539] : memref<2x2x200x128xf32, #tpu.memory_space<vmem>> -> memref<1x1x72x128xf32, #tpu.memory_space<vmem>>
      %dma_wait3A_541 = tpu.memref_squeeze %dma_wait3A_540 : memref<1x1x72x128xf32, #tpu.memory_space<vmem>> -> memref<72x128xf32, #tpu.memory_space<vmem>>
      %dma_wait3A_542 = arith.constant 128 : i32
      %dma_wait3A_543 = tpu.memref_slice %arg5[%dma_wait3A_533, %dma_wait3A_534, %dma_wait3A_542] : memref<2x2x200xi32, #tpu.memory_space<vmem>> -> memref<1x1x72xi32, #tpu.memory_space<vmem>>
      %dma_wait3A_544 = tpu.memref_squeeze %dma_wait3A_543 : memref<1x1x72xi32, #tpu.memory_space<vmem>> -> memref<72xi32, #tpu.memory_space<vmem>>
      %dma_wait3A_545 = arith.constant 0 : i32
      %dma_wait3A_546 = arith.constant 0 : i32
      %dma_wait3A_547 = tpu.memref_slice %arg3[%dma_wait3A_545, %dma_wait3A_546] : memref<1000000x128xf32, #tpu.memory_space<hbm>> -> memref<1000000x128xf32, #tpu.memory_space<hbm>>
      %dma_wait3A_548 = tpu.memref_slice %arg8[%dma_wait3A_537] : memref<2x!tpu.dma_semaphore, #tpu.memory_space<semaphore_mem>> -> memref<1x!tpu.dma_semaphore, #tpu.memory_space<semaphore_mem>>
      %dma_wait3A_549 = tpu.memref_squeeze %dma_wait3A_548 : memref<1x!tpu.dma_semaphore, #tpu.memory_space<semaphore_mem>> -> memref<!tpu.dma_semaphore, #tpu.memory_space<semaphore_mem>>
      tpu.wait_indirect_dma semaphore(%dma_wait3A_549 : memref<!tpu.dma_semaphore, #tpu.memory_space<semaphore_mem>>) src(%dma_wait3A_547 : memref<1000000x128xf32, #tpu.memory_space<hbm>>) dst(%dma_wait3A_541 : memref<72x128xf32, #tpu.memory_space<vmem>>)
      %mul3A_550 = arith.constant 2 : i32
      %mul3A_551 = arith.muli %add3A_481, %mul3A_550 : i32
      %add3A_552 = arith.addi %mul3A_2, %mul3A_551 : i32
      %dma_start3A_553 = arith.constant 1 : i32
      %dma_start3A_554 = arith.constant 1 : i32
      %dma_start3A_555 = arith.constant 0 : i32
      %dma_start3A_556 = arith.constant 0 : i32
      %dma_start3A_557 = arith.constant 0 : i32
      %dma_start3A_558 = tpu.memref_slice %arg6[%dma_start3A_553, %dma_start3A_555, %dma_start3A_556, %dma_start3A_557] : memref<2x2x200x128xf32, #tpu.memory_space<vmem>> -> memref<1x2x200x128xf32, #tpu.memory_space<vmem>>
      %dma_start3A_559 = tpu.memref_squeeze %dma_start3A_558 : memref<1x2x200x128xf32, #tpu.memory_space<vmem>> -> memref<2x200x128xf32, #tpu.memory_space<vmem>>
      %dma_start3A_560 = arith.constant 0 : i32
      %dma_start3A_561 = arith.constant 0 : i32
      %dma_start3A_562 = tpu.memref_slice %arg4[%add3A_552, %dma_start3A_560, %dma_start3A_561] : memref<4096x200x128xf32, #tpu.memory_space<hbm>> -> memref<2x200x128xf32, #tpu.memory_space<hbm>>
      %dma_start3A_563 = tpu.memref_slice %arg9[%dma_start3A_554] : memref<2x!tpu.dma_semaphore, #tpu.memory_space<semaphore_mem>> -> memref<1x!tpu.dma_semaphore, #tpu.memory_space<semaphore_mem>>
      %dma_start3A_564 = tpu.memref_squeeze %dma_start3A_563 : memref<1x!tpu.dma_semaphore, #tpu.memory_space<semaphore_mem>> -> memref<!tpu.dma_semaphore, #tpu.memory_space<semaphore_mem>>
      %dma_start3A_565 = arith.constant 0 : i32
      %dma_start3A_566 = arith.constant 0 : i32
      %dma_start3A_567 = tpu.memref_slice %arg4[%add3A_552, %dma_start3A_565, %dma_start3A_566] : memref<4096x200x128xf32, #tpu.memory_space<hbm>> -> memref<2x200x128xf32, #tpu.memory_space<hbm>>
      %dma_start3A_568 = arith.constant 0 : i32
      %dma_start3A_569 = arith.constant 0 : i32
      %dma_start3A_570 = arith.constant 0 : i32
      %dma_start3A_571 = tpu.memref_slice %arg6[%dma_start3A_553, %dma_start3A_568, %dma_start3A_569, %dma_start3A_570] : memref<2x2x200x128xf32, #tpu.memory_space<vmem>> -> memref<1x2x200x128xf32, #tpu.memory_space<vmem>>
      %dma_start3A_572 = tpu.memref_squeeze %dma_start3A_571 : memref<1x2x200x128xf32, #tpu.memory_space<vmem>> -> memref<2x200x128xf32, #tpu.memory_space<vmem>>
      tpu.enqueue_dma source(%dma_start3A_572 : memref<2x200x128xf32, #tpu.memory_space<vmem>>) target(%dma_start3A_567 : memref<2x200x128xf32, #tpu.memory_space<hbm>>) target_semaphore(%dma_start3A_564 : memref<!tpu.dma_semaphore, #tpu.memory_space<semaphore_mem>>)
      %add3A_573 = arith.constant 2 : i32
      %add3A_574 = arith.addi %add3A_481, %add3A_573 : i32
      %min3A_575 = arith.constant 63 : i32
      %min3A_576 = arith.minsi %add3A_574, %min3A_575 : i32
      %mul3A_577 = arith.constant 2 : i32
      %mul3A_578 = arith.muli %min3A_576, %mul3A_577 : i32
      %add3A_579 = arith.addi %mul3A_2, %mul3A_578 : i32
      %dma_start3A_580 = arith.constant 1 : i32
      %dma_start3A_581 = arith.constant 1 : i32
      %dma_start3A_582 = arith.constant 0 : i32
      %dma_start3A_583 = arith.constant 0 : i32
      %dma_start3A_584 = tpu.memref_slice %arg5[%dma_start3A_580, %dma_start3A_582, %dma_start3A_583] : memref<2x2x200xi32, #tpu.memory_space<vmem>> -> memref<1x2x200xi32, #tpu.memory_space<vmem>>
      %dma_start3A_585 = tpu.memref_squeeze %dma_start3A_584 : memref<1x2x200xi32, #tpu.memory_space<vmem>> -> memref<2x200xi32, #tpu.memory_space<vmem>>
      %dma_start3A_586 = arith.constant 0 : i32
      %dma_start3A_587 = tpu.memref_slice %arg2[%add3A_579, %dma_start3A_586] : memref<4096x200xi32, #tpu.memory_space<hbm>> -> memref<2x200xi32, #tpu.memory_space<hbm>>
      %dma_start3A_588 = tpu.memref_slice %arg7[%dma_start3A_581] : memref<2x!tpu.dma_semaphore, #tpu.memory_space<semaphore_mem>> -> memref<1x!tpu.dma_semaphore, #tpu.memory_space<semaphore_mem>>
      %dma_start3A_589 = tpu.memref_squeeze %dma_start3A_588 : memref<1x!tpu.dma_semaphore, #tpu.memory_space<semaphore_mem>> -> memref<!tpu.dma_semaphore, #tpu.memory_space<semaphore_mem>>
      %dma_start3A_590 = arith.constant 0 : i32
      %dma_start3A_591 = arith.constant 0 : i32
      %dma_start3A_592 = tpu.memref_slice %arg5[%dma_start3A_580, %dma_start3A_590, %dma_start3A_591] : memref<2x2x200xi32, #tpu.memory_space<vmem>> -> memref<1x2x200xi32, #tpu.memory_space<vmem>>
      %dma_start3A_593 = tpu.memref_squeeze %dma_start3A_592 : memref<1x2x200xi32, #tpu.memory_space<vmem>> -> memref<2x200xi32, #tpu.memory_space<vmem>>
      %dma_start3A_594 = arith.constant 0 : i32
      %dma_start3A_595 = tpu.memref_slice %arg2[%add3A_579, %dma_start3A_594] : memref<4096x200xi32, #tpu.memory_space<hbm>> -> memref<2x200xi32, #tpu.memory_space<hbm>>
      tpu.enqueue_dma source(%dma_start3A_595 : memref<2x200xi32, #tpu.memory_space<hbm>>) target(%dma_start3A_593 : memref<2x200xi32, #tpu.memory_space<vmem>>) target_semaphore(%dma_start3A_589 : memref<!tpu.dma_semaphore, #tpu.memory_space<semaphore_mem>>)
      %add3A_596 = arith.constant 1 : i32
      %add3A_597 = arith.addi %add3A_481, %add3A_596 : i32
      %mul3A_598 = arith.constant 2 : i32
      %mul3A_599 = arith.muli %add3A_597, %mul3A_598 : i32
      %add3A_600 = arith.addi %mul3A_2, %mul3A_599 : i32
      %dma_wait3A_601 = arith.constant 0 : i32
      %dma_wait3A_602 = arith.constant 0 : i32
      %dma_wait3A_603 = arith.constant 0 : i32
      %dma_wait3A_604 = arith.constant 0 : i32
      %dma_wait3A_605 = tpu.memref_slice %arg5[%dma_wait3A_601, %dma_wait3A_603, %dma_wait3A_604] : memref<2x2x200xi32, #tpu.memory_space<vmem>> -> memref<1x2x200xi32, #tpu.memory_space<vmem>>
      %dma_wait3A_606 = tpu.memref_squeeze %dma_wait3A_605 : memref<1x2x200xi32, #tpu.memory_space<vmem>> -> memref<2x200xi32, #tpu.memory_space<vmem>>
      %dma_wait3A_607 = arith.constant 0 : i32
      %dma_wait3A_608 = tpu.memref_slice %arg2[%add3A_600, %dma_wait3A_607] : memref<4096x200xi32, #tpu.memory_space<hbm>> -> memref<2x200xi32, #tpu.memory_space<hbm>>
      %dma_wait3A_609 = tpu.memref_slice %arg7[%dma_wait3A_602] : memref<2x!tpu.dma_semaphore, #tpu.memory_space<semaphore_mem>> -> memref<1x!tpu.dma_semaphore, #tpu.memory_space<semaphore_mem>>
      %dma_wait3A_610 = tpu.memref_squeeze %dma_wait3A_609 : memref<1x!tpu.dma_semaphore, #tpu.memory_space<semaphore_mem>> -> memref<!tpu.dma_semaphore, #tpu.memory_space<semaphore_mem>>
      %dma_wait3A_611 = arith.constant 0 : i32
      %dma_wait3A_612 = arith.constant 0 : i32
      %dma_wait3A_613 = tpu.memref_slice %arg5[%dma_wait3A_601, %dma_wait3A_611, %dma_wait3A_612] : memref<2x2x200xi32, #tpu.memory_space<vmem>> -> memref<1x2x200xi32, #tpu.memory_space<vmem>>
      %dma_wait3A_614 = tpu.memref_squeeze %dma_wait3A_613 : memref<1x2x200xi32, #tpu.memory_space<vmem>> -> memref<2x200xi32, #tpu.memory_space<vmem>>
      %dma_wait3A_615 = arith.constant 0 : i32
      %dma_wait3A_616 = tpu.memref_slice %arg2[%add3A_600, %dma_wait3A_615] : memref<4096x200xi32, #tpu.memory_space<hbm>> -> memref<2x200xi32, #tpu.memory_space<hbm>>
      tpu.wait_dma2 semaphore(%dma_wait3A_610 : memref<!tpu.dma_semaphore, #tpu.memory_space<semaphore_mem>>) src(%dma_wait3A_616 : memref<2x200xi32, #tpu.memory_space<hbm>>) dst(%dma_wait3A_614 : memref<2x200xi32, #tpu.memory_space<vmem>>)
      %mul3A_617 = arith.constant 2 : i32
      %mul3A_618 = arith.muli %add3A_481, %mul3A_617 : i32
      %add3A_619 = arith.addi %mul3A_2, %mul3A_618 : i32
      %dma_wait3A_620 = arith.constant 0 : i32
      %dma_wait3A_621 = arith.constant 0 : i32
      %dma_wait3A_622 = arith.constant 0 : i32
      %dma_wait3A_623 = arith.constant 0 : i32
      %dma_wait3A_624 = arith.constant 0 : i32
      %dma_wait3A_625 = tpu.memref_slice %arg6[%dma_wait3A_620, %dma_wait3A_622, %dma_wait3A_623, %dma_wait3A_624] : memref<2x2x200x128xf32, #tpu.memory_space<vmem>> -> memref<1x2x200x128xf32, #tpu.memory_space<vmem>>
      %dma_wait3A_626 = tpu.memref_squeeze %dma_wait3A_625 : memref<1x2x200x128xf32, #tpu.memory_space<vmem>> -> memref<2x200x128xf32, #tpu.memory_space<vmem>>
      %dma_wait3A_627 = arith.constant 0 : i32
      %dma_wait3A_628 = arith.constant 0 : i32
      %dma_wait3A_629 = tpu.memref_slice %arg4[%add3A_619, %dma_wait3A_627, %dma_wait3A_628] : memref<4096x200x128xf32, #tpu.memory_space<hbm>> -> memref<2x200x128xf32, #tpu.memory_space<hbm>>
      %dma_wait3A_630 = tpu.memref_slice %arg9[%dma_wait3A_621] : memref<2x!tpu.dma_semaphore, #tpu.memory_space<semaphore_mem>> -> memref<1x!tpu.dma_semaphore, #tpu.memory_space<semaphore_mem>>
      %dma_wait3A_631 = tpu.memref_squeeze %dma_wait3A_630 : memref<1x!tpu.dma_semaphore, #tpu.memory_space<semaphore_mem>> -> memref<!tpu.dma_semaphore, #tpu.memory_space<semaphore_mem>>
      %dma_wait3A_632 = arith.constant 0 : i32
      %dma_wait3A_633 = arith.constant 0 : i32
      %dma_wait3A_634 = tpu.memref_slice %arg4[%add3A_619, %dma_wait3A_632, %dma_wait3A_633] : memref<4096x200x128xf32, #tpu.memory_space<hbm>> -> memref<2x200x128xf32, #tpu.memory_space<hbm>>
      %dma_wait3A_635 = arith.constant 0 : i32
      %dma_wait3A_636 = arith.constant 0 : i32
      %dma_wait3A_637 = arith.constant 0 : i32
      %dma_wait3A_638 = tpu.memref_slice %arg6[%dma_wait3A_620, %dma_wait3A_635, %dma_wait3A_636, %dma_wait3A_637] : memref<2x2x200x128xf32, #tpu.memory_space<vmem>> -> memref<1x2x200x128xf32, #tpu.memory_space<vmem>>
      %dma_wait3A_639 = tpu.memref_squeeze %dma_wait3A_638 : memref<1x2x200x128xf32, #tpu.memory_space<vmem>> -> memref<2x200x128xf32, #tpu.memory_space<vmem>>
      tpu.wait_dma2 semaphore(%dma_wait3A_631 : memref<!tpu.dma_semaphore, #tpu.memory_space<semaphore_mem>>) src(%dma_wait3A_639 : memref<2x200x128xf32, #tpu.memory_space<vmem>>) dst(%dma_wait3A_634 : memref<2x200x128xf32, #tpu.memory_space<hbm>>)
      %dma_start3A_640 = arith.constant 0 : i32
      %dma_start3A_641 = arith.constant 0 : i32
      %dma_start3A_642 = arith.constant 0 : i32
      %dma_start3A_643 = arith.constant 0 : i32
      %dma_start3A_644 = arith.constant 0 : i32
      %dma_start3A_645 = arith.constant 0 : i32
      %dma_start3A_646 = arith.constant 0 : i32
      %dma_start3A_647 = tpu.memref_slice %arg6[%dma_start3A_642, %dma_start3A_643, %dma_start3A_645, %dma_start3A_646] : memref<2x2x200x128xf32, #tpu.memory_space<vmem>> -> memref<1x1x128x128xf32, #tpu.memory_space<vmem>>
      %dma_start3A_648 = tpu.memref_squeeze %dma_start3A_647 : memref<1x1x128x128xf32, #tpu.memory_space<vmem>> -> memref<128x128xf32, #tpu.memory_space<vmem>>
      %dma_start3A_649 = arith.constant 0 : i32
      %dma_start3A_650 = tpu.memref_slice %arg5[%dma_start3A_640, %dma_start3A_641, %dma_start3A_649] : memref<2x2x200xi32, #tpu.memory_space<vmem>> -> memref<1x1x128xi32, #tpu.memory_space<vmem>>
      %dma_start3A_651 = tpu.memref_squeeze %dma_start3A_650 : memref<1x1x128xi32, #tpu.memory_space<vmem>> -> memref<128xi32, #tpu.memory_space<vmem>>
      %dma_start3A_652 = arith.constant 0 : i32
      %dma_start3A_653 = arith.constant 0 : i32
      %dma_start3A_654 = tpu.memref_slice %arg3[%dma_start3A_652, %dma_start3A_653] : memref<1000000x128xf32, #tpu.memory_space<hbm>> -> memref<1000000x128xf32, #tpu.memory_space<hbm>>
      %dma_start3A_655 = tpu.memref_slice %arg8[%dma_start3A_644] : memref<2x!tpu.dma_semaphore, #tpu.memory_space<semaphore_mem>> -> memref<1x!tpu.dma_semaphore, #tpu.memory_space<semaphore_mem>>
      %dma_start3A_656 = tpu.memref_squeeze %dma_start3A_655 : memref<1x!tpu.dma_semaphore, #tpu.memory_space<semaphore_mem>> -> memref<!tpu.dma_semaphore, #tpu.memory_space<semaphore_mem>>
      tpu.enqueue_indirect_dma source(%dma_start3A_654 : memref<1000000x128xf32, #tpu.memory_space<hbm>>) target(%dma_start3A_648 : memref<128x128xf32, #tpu.memory_space<vmem>>) offsets(%dma_start3A_651 : memref<128xi32, #tpu.memory_space<vmem>>) semaphore(%dma_start3A_656 : memref<!tpu.dma_semaphore, #tpu.memory_space<semaphore_mem>>)
      %dma_start3A_657 = arith.constant 0 : i32
      %dma_start3A_658 = arith.constant 0 : i32
      %dma_start3A_659 = arith.constant 0 : i32
      %dma_start3A_660 = arith.constant 0 : i32
      %dma_start3A_661 = arith.constant 0 : i32
      %dma_start3A_662 = arith.constant 128 : i32
      %dma_start3A_663 = arith.constant 0 : i32
      %dma_start3A_664 = tpu.memref_slice %arg6[%dma_start3A_659, %dma_start3A_660, %dma_start3A_662, %dma_start3A_663] : memref<2x2x200x128xf32, #tpu.memory_space<vmem>> -> memref<1x1x72x128xf32, #tpu.memory_space<vmem>>
      %dma_start3A_665 = tpu.memref_squeeze %dma_start3A_664 : memref<1x1x72x128xf32, #tpu.memory_space<vmem>> -> memref<72x128xf32, #tpu.memory_space<vmem>>
      %dma_start3A_666 = arith.constant 128 : i32
      %dma_start3A_667 = tpu.memref_slice %arg5[%dma_start3A_657, %dma_start3A_658, %dma_start3A_666] : memref<2x2x200xi32, #tpu.memory_space<vmem>> -> memref<1x1x72xi32, #tpu.memory_space<vmem>>
      %dma_start3A_668 = tpu.memref_squeeze %dma_start3A_667 : memref<1x1x72xi32, #tpu.memory_space<vmem>> -> memref<72xi32, #tpu.memory_space<vmem>>
      %dma_start3A_669 = arith.constant 0 : i32
      %dma_start3A_670 = arith.constant 0 : i32
      %dma_start3A_671 = tpu.memref_slice %arg3[%dma_start3A_669, %dma_start3A_670] : memref<1000000x128xf32, #tpu.memory_space<hbm>> -> memref<1000000x128xf32, #tpu.memory_space<hbm>>
      %dma_start3A_672 = tpu.memref_slice %arg8[%dma_start3A_661] : memref<2x!tpu.dma_semaphore, #tpu.memory_space<semaphore_mem>> -> memref<1x!tpu.dma_semaphore, #tpu.memory_space<semaphore_mem>>
      %dma_start3A_673 = tpu.memref_squeeze %dma_start3A_672 : memref<1x!tpu.dma_semaphore, #tpu.memory_space<semaphore_mem>> -> memref<!tpu.dma_semaphore, #tpu.memory_space<semaphore_mem>>
      tpu.enqueue_indirect_dma source(%dma_start3A_671 : memref<1000000x128xf32, #tpu.memory_space<hbm>>) target(%dma_start3A_665 : memref<72x128xf32, #tpu.memory_space<vmem>>) offsets(%dma_start3A_668 : memref<72xi32, #tpu.memory_space<vmem>>) semaphore(%dma_start3A_673 : memref<!tpu.dma_semaphore, #tpu.memory_space<semaphore_mem>>)
      %dma_start3A_674 = arith.constant 0 : i32
      %dma_start3A_675 = arith.constant 1 : i32
      %dma_start3A_676 = arith.constant 0 : i32
      %dma_start3A_677 = arith.constant 1 : i32
      %dma_start3A_678 = arith.constant 0 : i32
      %dma_start3A_679 = arith.constant 0 : i32
      %dma_start3A_680 = arith.constant 0 : i32
      %dma_start3A_681 = tpu.memref_slice %arg6[%dma_start3A_676, %dma_start3A_677, %dma_start3A_679, %dma_start3A_680] : memref<2x2x200x128xf32, #tpu.memory_space<vmem>> -> memref<1x1x128x128xf32, #tpu.memory_space<vmem>>
      %dma_start3A_682 = tpu.memref_squeeze %dma_start3A_681 : memref<1x1x128x128xf32, #tpu.memory_space<vmem>> -> memref<128x128xf32, #tpu.memory_space<vmem>>
      %dma_start3A_683 = arith.constant 0 : i32
      %dma_start3A_684 = tpu.memref_slice %arg5[%dma_start3A_674, %dma_start3A_675, %dma_start3A_683] : memref<2x2x200xi32, #tpu.memory_space<vmem>> -> memref<1x1x128xi32, #tpu.memory_space<vmem>>
      %dma_start3A_685 = tpu.memref_squeeze %dma_start3A_684 : memref<1x1x128xi32, #tpu.memory_space<vmem>> -> memref<128xi32, #tpu.memory_space<vmem>>
      %dma_start3A_686 = arith.constant 0 : i32
      %dma_start3A_687 = arith.constant 0 : i32
      %dma_start3A_688 = tpu.memref_slice %arg3[%dma_start3A_686, %dma_start3A_687] : memref<1000000x128xf32, #tpu.memory_space<hbm>> -> memref<1000000x128xf32, #tpu.memory_space<hbm>>
      %dma_start3A_689 = tpu.memref_slice %arg8[%dma_start3A_678] : memref<2x!tpu.dma_semaphore, #tpu.memory_space<semaphore_mem>> -> memref<1x!tpu.dma_semaphore, #tpu.memory_space<semaphore_mem>>
      %dma_start3A_690 = tpu.memref_squeeze %dma_start3A_689 : memref<1x!tpu.dma_semaphore, #tpu.memory_space<semaphore_mem>> -> memref<!tpu.dma_semaphore, #tpu.memory_space<semaphore_mem>>
      tpu.enqueue_indirect_dma source(%dma_start3A_688 : memref<1000000x128xf32, #tpu.memory_space<hbm>>) target(%dma_start3A_682 : memref<128x128xf32, #tpu.memory_space<vmem>>) offsets(%dma_start3A_685 : memref<128xi32, #tpu.memory_space<vmem>>) semaphore(%dma_start3A_690 : memref<!tpu.dma_semaphore, #tpu.memory_space<semaphore_mem>>)
      %dma_start3A_691 = arith.constant 0 : i32
      %dma_start3A_692 = arith.constant 1 : i32
      %dma_start3A_693 = arith.constant 0 : i32
      %dma_start3A_694 = arith.constant 1 : i32
      %dma_start3A_695 = arith.constant 0 : i32
      %dma_start3A_696 = arith.constant 128 : i32
      %dma_start3A_697 = arith.constant 0 : i32
      %dma_start3A_698 = tpu.memref_slice %arg6[%dma_start3A_693, %dma_start3A_694, %dma_start3A_696, %dma_start3A_697] : memref<2x2x200x128xf32, #tpu.memory_space<vmem>> -> memref<1x1x72x128xf32, #tpu.memory_space<vmem>>
      %dma_start3A_699 = tpu.memref_squeeze %dma_start3A_698 : memref<1x1x72x128xf32, #tpu.memory_space<vmem>> -> memref<72x128xf32, #tpu.memory_space<vmem>>
      %dma_start3A_700 = arith.constant 128 : i32
      %dma_start3A_701 = tpu.memref_slice %arg5[%dma_start3A_691, %dma_start3A_692, %dma_start3A_700] : memref<2x2x200xi32, #tpu.memory_space<vmem>> -> memref<1x1x72xi32, #tpu.memory_space<vmem>>
      %dma_start3A_702 = tpu.memref_squeeze %dma_start3A_701 : memref<1x1x72xi32, #tpu.memory_space<vmem>> -> memref<72xi32, #tpu.memory_space<vmem>>
      %dma_start3A_703 = arith.constant 0 : i32
      %dma_start3A_704 = arith.constant 0 : i32
      %dma_start3A_705 = tpu.memref_slice %arg3[%dma_start3A_703, %dma_start3A_704] : memref<1000000x128xf32, #tpu.memory_space<hbm>> -> memref<1000000x128xf32, #tpu.memory_space<hbm>>
      %dma_start3A_706 = tpu.memref_slice %arg8[%dma_start3A_695] : memref<2x!tpu.dma_semaphore, #tpu.memory_space<semaphore_mem>> -> memref<1x!tpu.dma_semaphore, #tpu.memory_space<semaphore_mem>>
      %dma_start3A_707 = tpu.memref_squeeze %dma_start3A_706 : memref<1x!tpu.dma_semaphore, #tpu.memory_space<semaphore_mem>> -> memref<!tpu.dma_semaphore, #tpu.memory_space<semaphore_mem>>
      tpu.enqueue_indirect_dma source(%dma_start3A_705 : memref<1000000x128xf32, #tpu.memory_space<hbm>>) target(%dma_start3A_699 : memref<72x128xf32, #tpu.memory_space<vmem>>) offsets(%dma_start3A_702 : memref<72xi32, #tpu.memory_space<vmem>>) semaphore(%dma_start3A_707 : memref<!tpu.dma_semaphore, #tpu.memory_space<semaphore_mem>>)
      %add3A_708 = arith.constant 1 : i32
      %add3A_709 = arith.addi %add3A_481, %add3A_708 : i32
      %dma_wait3A_710 = arith.constant 0 : i32
      %dma_wait3A_711 = arith.constant 0 : i32
      %dma_wait3A_712 = arith.constant 0 : i32
      %dma_wait3A_713 = arith.constant 0 : i32
      %dma_wait3A_714 = arith.constant 0 : i32
      %dma_wait3A_715 = arith.constant 0 : i32
      %dma_wait3A_716 = arith.constant 0 : i32
      %dma_wait3A_717 = tpu.memref_slice %arg6[%dma_wait3A_712, %dma_wait3A_713, %dma_wait3A_715, %dma_wait3A_716] : memref<2x2x200x128xf32, #tpu.memory_space<vmem>> -> memref<1x1x128x128xf32, #tpu.memory_space<vmem>>
      %dma_wait3A_718 = tpu.memref_squeeze %dma_wait3A_717 : memref<1x1x128x128xf32, #tpu.memory_space<vmem>> -> memref<128x128xf32, #tpu.memory_space<vmem>>
      %dma_wait3A_719 = arith.constant 0 : i32
      %dma_wait3A_720 = tpu.memref_slice %arg5[%dma_wait3A_710, %dma_wait3A_711, %dma_wait3A_719] : memref<2x2x200xi32, #tpu.memory_space<vmem>> -> memref<1x1x128xi32, #tpu.memory_space<vmem>>
      %dma_wait3A_721 = tpu.memref_squeeze %dma_wait3A_720 : memref<1x1x128xi32, #tpu.memory_space<vmem>> -> memref<128xi32, #tpu.memory_space<vmem>>
      %dma_wait3A_722 = arith.constant 0 : i32
      %dma_wait3A_723 = arith.constant 0 : i32
      %dma_wait3A_724 = tpu.memref_slice %arg3[%dma_wait3A_722, %dma_wait3A_723] : memref<1000000x128xf32, #tpu.memory_space<hbm>> -> memref<1000000x128xf32, #tpu.memory_space<hbm>>
      %dma_wait3A_725 = tpu.memref_slice %arg8[%dma_wait3A_714] : memref<2x!tpu.dma_semaphore, #tpu.memory_space<semaphore_mem>> -> memref<1x!tpu.dma_semaphore, #tpu.memory_space<semaphore_mem>>
      %dma_wait3A_726 = tpu.memref_squeeze %dma_wait3A_725 : memref<1x!tpu.dma_semaphore, #tpu.memory_space<semaphore_mem>> -> memref<!tpu.dma_semaphore, #tpu.memory_space<semaphore_mem>>
      tpu.wait_indirect_dma semaphore(%dma_wait3A_726 : memref<!tpu.dma_semaphore, #tpu.memory_space<semaphore_mem>>) src(%dma_wait3A_724 : memref<1000000x128xf32, #tpu.memory_space<hbm>>) dst(%dma_wait3A_718 : memref<128x128xf32, #tpu.memory_space<vmem>>)
      %dma_wait3A_727 = arith.constant 0 : i32
      %dma_wait3A_728 = arith.constant 0 : i32
      %dma_wait3A_729 = arith.constant 0 : i32
      %dma_wait3A_730 = arith.constant 0 : i32
      %dma_wait3A_731 = arith.constant 0 : i32
      %dma_wait3A_732 = arith.constant 128 : i32
      %dma_wait3A_733 = arith.constant 0 : i32
      %dma_wait3A_734 = tpu.memref_slice %arg6[%dma_wait3A_729, %dma_wait3A_730, %dma_wait3A_732, %dma_wait3A_733] : memref<2x2x200x128xf32, #tpu.memory_space<vmem>> -> memref<1x1x72x128xf32, #tpu.memory_space<vmem>>
      %dma_wait3A_735 = tpu.memref_squeeze %dma_wait3A_734 : memref<1x1x72x128xf32, #tpu.memory_space<vmem>> -> memref<72x128xf32, #tpu.memory_space<vmem>>
      %dma_wait3A_736 = arith.constant 128 : i32
      %dma_wait3A_737 = tpu.memref_slice %arg5[%dma_wait3A_727, %dma_wait3A_728, %dma_wait3A_736] : memref<2x2x200xi32, #tpu.memory_space<vmem>> -> memref<1x1x72xi32, #tpu.memory_space<vmem>>
      %dma_wait3A_738 = tpu.memref_squeeze %dma_wait3A_737 : memref<1x1x72xi32, #tpu.memory_space<vmem>> -> memref<72xi32, #tpu.memory_space<vmem>>
      %dma_wait3A_739 = arith.constant 0 : i32
      %dma_wait3A_740 = arith.constant 0 : i32
      %dma_wait3A_741 = tpu.memref_slice %arg3[%dma_wait3A_739, %dma_wait3A_740] : memref<1000000x128xf32, #tpu.memory_space<hbm>> -> memref<1000000x128xf32, #tpu.memory_space<hbm>>
      %dma_wait3A_742 = tpu.memref_slice %arg8[%dma_wait3A_731] : memref<2x!tpu.dma_semaphore, #tpu.memory_space<semaphore_mem>> -> memref<1x!tpu.dma_semaphore, #tpu.memory_space<semaphore_mem>>
      %dma_wait3A_743 = tpu.memref_squeeze %dma_wait3A_742 : memref<1x!tpu.dma_semaphore, #tpu.memory_space<semaphore_mem>> -> memref<!tpu.dma_semaphore, #tpu.memory_space<semaphore_mem>>
      tpu.wait_indirect_dma semaphore(%dma_wait3A_743 : memref<!tpu.dma_semaphore, #tpu.memory_space<semaphore_mem>>) src(%dma_wait3A_741 : memref<1000000x128xf32, #tpu.memory_space<hbm>>) dst(%dma_wait3A_735 : memref<72x128xf32, #tpu.memory_space<vmem>>)
      %dma_wait3A_744 = arith.constant 0 : i32
      %dma_wait3A_745 = arith.constant 1 : i32
      %dma_wait3A_746 = arith.constant 0 : i32
      %dma_wait3A_747 = arith.constant 1 : i32
      %dma_wait3A_748 = arith.constant 0 : i32
      %dma_wait3A_749 = arith.constant 0 : i32
      %dma_wait3A_750 = arith.constant 0 : i32
      %dma_wait3A_751 = tpu.memref_slice %arg6[%dma_wait3A_746, %dma_wait3A_747, %dma_wait3A_749, %dma_wait3A_750] : memref<2x2x200x128xf32, #tpu.memory_space<vmem>> -> memref<1x1x128x128xf32, #tpu.memory_space<vmem>>
      %dma_wait3A_752 = tpu.memref_squeeze %dma_wait3A_751 : memref<1x1x128x128xf32, #tpu.memory_space<vmem>> -> memref<128x128xf32, #tpu.memory_space<vmem>>
      %dma_wait3A_753 = arith.constant 0 : i32
      %dma_wait3A_754 = tpu.memref_slice %arg5[%dma_wait3A_744, %dma_wait3A_745, %dma_wait3A_753] : memref<2x2x200xi32, #tpu.memory_space<vmem>> -> memref<1x1x128xi32, #tpu.memory_space<vmem>>
      %dma_wait3A_755 = tpu.memref_squeeze %dma_wait3A_754 : memref<1x1x128xi32, #tpu.memory_space<vmem>> -> memref<128xi32, #tpu.memory_space<vmem>>
      %dma_wait3A_756 = arith.constant 0 : i32
      %dma_wait3A_757 = arith.constant 0 : i32
      %dma_wait3A_758 = tpu.memref_slice %arg3[%dma_wait3A_756, %dma_wait3A_757] : memref<1000000x128xf32, #tpu.memory_space<hbm>> -> memref<1000000x128xf32, #tpu.memory_space<hbm>>
      %dma_wait3A_759 = tpu.memref_slice %arg8[%dma_wait3A_748] : memref<2x!tpu.dma_semaphore, #tpu.memory_space<semaphore_mem>> -> memref<1x!tpu.dma_semaphore, #tpu.memory_space<semaphore_mem>>
      %dma_wait3A_760 = tpu.memref_squeeze %dma_wait3A_759 : memref<1x!tpu.dma_semaphore, #tpu.memory_space<semaphore_mem>> -> memref<!tpu.dma_semaphore, #tpu.memory_space<semaphore_mem>>
      tpu.wait_indirect_dma semaphore(%dma_wait3A_760 : memref<!tpu.dma_semaphore, #tpu.memory_space<semaphore_mem>>) src(%dma_wait3A_758 : memref<1000000x128xf32, #tpu.memory_space<hbm>>) dst(%dma_wait3A_752 : memref<128x128xf32, #tpu.memory_space<vmem>>)
      %dma_wait3A_761 = arith.constant 0 : i32
      %dma_wait3A_762 = arith.constant 1 : i32
      %dma_wait3A_763 = arith.constant 0 : i32
      %dma_wait3A_764 = arith.constant 1 : i32
      %dma_wait3A_765 = arith.constant 0 : i32
      %dma_wait3A_766 = arith.constant 128 : i32
      %dma_wait3A_767 = arith.constant 0 : i32
      %dma_wait3A_768 = tpu.memref_slice %arg6[%dma_wait3A_763, %dma_wait3A_764, %dma_wait3A_766, %dma_wait3A_767] : memref<2x2x200x128xf32, #tpu.memory_space<vmem>> -> memref<1x1x72x128xf32, #tpu.memory_space<vmem>>
      %dma_wait3A_769 = tpu.memref_squeeze %dma_wait3A_768 : memref<1x1x72x128xf32, #tpu.memory_space<vmem>> -> memref<72x128xf32, #tpu.memory_space<vmem>>
      %dma_wait3A_770 = arith.constant 128 : i32
      %dma_wait3A_771 = tpu.memref_slice %arg5[%dma_wait3A_761, %dma_wait3A_762, %dma_wait3A_770] : memref<2x2x200xi32, #tpu.memory_space<vmem>> -> memref<1x1x72xi32, #tpu.memory_space<vmem>>
      %dma_wait3A_772 = tpu.memref_squeeze %dma_wait3A_771 : memref<1x1x72xi32, #tpu.memory_space<vmem>> -> memref<72xi32, #tpu.memory_space<vmem>>
      %dma_wait3A_773 = arith.constant 0 : i32
      %dma_wait3A_774 = arith.constant 0 : i32
      %dma_wait3A_775 = tpu.memref_slice %arg3[%dma_wait3A_773, %dma_wait3A_774] : memref<1000000x128xf32, #tpu.memory_space<hbm>> -> memref<1000000x128xf32, #tpu.memory_space<hbm>>
      %dma_wait3A_776 = tpu.memref_slice %arg8[%dma_wait3A_765] : memref<2x!tpu.dma_semaphore, #tpu.memory_space<semaphore_mem>> -> memref<1x!tpu.dma_semaphore, #tpu.memory_space<semaphore_mem>>
      %dma_wait3A_777 = tpu.memref_squeeze %dma_wait3A_776 : memref<1x!tpu.dma_semaphore, #tpu.memory_space<semaphore_mem>> -> memref<!tpu.dma_semaphore, #tpu.memory_space<semaphore_mem>>
      tpu.wait_indirect_dma semaphore(%dma_wait3A_777 : memref<!tpu.dma_semaphore, #tpu.memory_space<semaphore_mem>>) src(%dma_wait3A_775 : memref<1000000x128xf32, #tpu.memory_space<hbm>>) dst(%dma_wait3A_769 : memref<72x128xf32, #tpu.memory_space<vmem>>)
      %mul3A_778 = arith.constant 2 : i32
      %mul3A_779 = arith.muli %add3A_709, %mul3A_778 : i32
      %add3A_780 = arith.addi %mul3A_2, %mul3A_779 : i32
      %dma_start3A_781 = arith.constant 0 : i32
      %dma_start3A_782 = arith.constant 0 : i32
      %dma_start3A_783 = arith.constant 0 : i32
      %dma_start3A_784 = arith.constant 0 : i32
      %dma_start3A_785 = arith.constant 0 : i32
      %dma_start3A_786 = tpu.memref_slice %arg6[%dma_start3A_781, %dma_start3A_783, %dma_start3A_784, %dma_start3A_785] : memref<2x2x200x128xf32, #tpu.memory_space<vmem>> -> memref<1x2x200x128xf32, #tpu.memory_space<vmem>>
      %dma_start3A_787 = tpu.memref_squeeze %dma_start3A_786 : memref<1x2x200x128xf32, #tpu.memory_space<vmem>> -> memref<2x200x128xf32, #tpu.memory_space<vmem>>
      %dma_start3A_788 = arith.constant 0 : i32
      %dma_start3A_789 = arith.constant 0 : i32
      %dma_start3A_790 = tpu.memref_slice %arg4[%add3A_780, %dma_start3A_788, %dma_start3A_789] : memref<4096x200x128xf32, #tpu.memory_space<hbm>> -> memref<2x200x128xf32, #tpu.memory_space<hbm>>
      %dma_start3A_791 = tpu.memref_slice %arg9[%dma_start3A_782] : memref<2x!tpu.dma_semaphore, #tpu.memory_space<semaphore_mem>> -> memref<1x!tpu.dma_semaphore, #tpu.memory_space<semaphore_mem>>
      %dma_start3A_792 = tpu.memref_squeeze %dma_start3A_791 : memref<1x!tpu.dma_semaphore, #tpu.memory_space<semaphore_mem>> -> memref<!tpu.dma_semaphore, #tpu.memory_space<semaphore_mem>>
      %dma_start3A_793 = arith.constant 0 : i32
      %dma_start3A_794 = arith.constant 0 : i32
      %dma_start3A_795 = tpu.memref_slice %arg4[%add3A_780, %dma_start3A_793, %dma_start3A_794] : memref<4096x200x128xf32, #tpu.memory_space<hbm>> -> memref<2x200x128xf32, #tpu.memory_space<hbm>>
      %dma_start3A_796 = arith.constant 0 : i32
      %dma_start3A_797 = arith.constant 0 : i32
      %dma_start3A_798 = arith.constant 0 : i32
      %dma_start3A_799 = tpu.memref_slice %arg6[%dma_start3A_781, %dma_start3A_796, %dma_start3A_797, %dma_start3A_798] : memref<2x2x200x128xf32, #tpu.memory_space<vmem>> -> memref<1x2x200x128xf32, #tpu.memory_space<vmem>>
      %dma_start3A_800 = tpu.memref_squeeze %dma_start3A_799 : memref<1x2x200x128xf32, #tpu.memory_space<vmem>> -> memref<2x200x128xf32, #tpu.memory_space<vmem>>
      tpu.enqueue_dma source(%dma_start3A_800 : memref<2x200x128xf32, #tpu.memory_space<vmem>>) target(%dma_start3A_795 : memref<2x200x128xf32, #tpu.memory_space<hbm>>) target_semaphore(%dma_start3A_792 : memref<!tpu.dma_semaphore, #tpu.memory_space<semaphore_mem>>)
      %add3A_801 = arith.constant 2 : i32
      %add3A_802 = arith.addi %add3A_709, %add3A_801 : i32
      %min3A_803 = arith.constant 63 : i32
      %min3A_804 = arith.minsi %add3A_802, %min3A_803 : i32
      %mul3A_805 = arith.constant 2 : i32
      %mul3A_806 = arith.muli %min3A_804, %mul3A_805 : i32
      %add3A_807 = arith.addi %mul3A_2, %mul3A_806 : i32
      %dma_start3A_808 = arith.constant 0 : i32
      %dma_start3A_809 = arith.constant 0 : i32
      %dma_start3A_810 = arith.constant 0 : i32
      %dma_start3A_811 = arith.constant 0 : i32
      %dma_start3A_812 = tpu.memref_slice %arg5[%dma_start3A_808, %dma_start3A_810, %dma_start3A_811] : memref<2x2x200xi32, #tpu.memory_space<vmem>> -> memref<1x2x200xi32, #tpu.memory_space<vmem>>
      %dma_start3A_813 = tpu.memref_squeeze %dma_start3A_812 : memref<1x2x200xi32, #tpu.memory_space<vmem>> -> memref<2x200xi32, #tpu.memory_space<vmem>>
      %dma_start3A_814 = arith.constant 0 : i32
      %dma_start3A_815 = tpu.memref_slice %arg2[%add3A_807, %dma_start3A_814] : memref<4096x200xi32, #tpu.memory_space<hbm>> -> memref<2x200xi32, #tpu.memory_space<hbm>>
      %dma_start3A_816 = tpu.memref_slice %arg7[%dma_start3A_809] : memref<2x!tpu.dma_semaphore, #tpu.memory_space<semaphore_mem>> -> memref<1x!tpu.dma_semaphore, #tpu.memory_space<semaphore_mem>>
      %dma_start3A_817 = tpu.memref_squeeze %dma_start3A_816 : memref<1x!tpu.dma_semaphore, #tpu.memory_space<semaphore_mem>> -> memref<!tpu.dma_semaphore, #tpu.memory_space<semaphore_mem>>
      %dma_start3A_818 = arith.constant 0 : i32
      %dma_start3A_819 = arith.constant 0 : i32
      %dma_start3A_820 = tpu.memref_slice %arg5[%dma_start3A_808, %dma_start3A_818, %dma_start3A_819] : memref<2x2x200xi32, #tpu.memory_space<vmem>> -> memref<1x2x200xi32, #tpu.memory_space<vmem>>
      %dma_start3A_821 = tpu.memref_squeeze %dma_start3A_820 : memref<1x2x200xi32, #tpu.memory_space<vmem>> -> memref<2x200xi32, #tpu.memory_space<vmem>>
      %dma_start3A_822 = arith.constant 0 : i32
      %dma_start3A_823 = tpu.memref_slice %arg2[%add3A_807, %dma_start3A_822] : memref<4096x200xi32, #tpu.memory_space<hbm>> -> memref<2x200xi32, #tpu.memory_space<hbm>>
      tpu.enqueue_dma source(%dma_start3A_823 : memref<2x200xi32, #tpu.memory_space<hbm>>) target(%dma_start3A_821 : memref<2x200xi32, #tpu.memory_space<vmem>>) target_semaphore(%dma_start3A_817 : memref<!tpu.dma_semaphore, #tpu.memory_space<semaphore_mem>>)
      %add3A_824 = arith.constant 1 : i32
      %add3A_825 = arith.addi %add3A_709, %add3A_824 : i32
      %mul3A_826 = arith.constant 2 : i32
      %mul3A_827 = arith.muli %add3A_825, %mul3A_826 : i32
      %add3A_828 = arith.addi %mul3A_2, %mul3A_827 : i32
      %dma_wait3A_829 = arith.constant 1 : i32
      %dma_wait3A_830 = arith.constant 1 : i32
      %dma_wait3A_831 = arith.constant 0 : i32
      %dma_wait3A_832 = arith.constant 0 : i32
      %dma_wait3A_833 = tpu.memref_slice %arg5[%dma_wait3A_829, %dma_wait3A_831, %dma_wait3A_832] : memref<2x2x200xi32, #tpu.memory_space<vmem>> -> memref<1x2x200xi32, #tpu.memory_space<vmem>>
      %dma_wait3A_834 = tpu.memref_squeeze %dma_wait3A_833 : memref<1x2x200xi32, #tpu.memory_space<vmem>> -> memref<2x200xi32, #tpu.memory_space<vmem>>
      %dma_wait3A_835 = arith.constant 0 : i32
      %dma_wait3A_836 = tpu.memref_slice %arg2[%add3A_828, %dma_wait3A_835] : memref<4096x200xi32, #tpu.memory_space<hbm>> -> memref<2x200xi32, #tpu.memory_space<hbm>>
      %dma_wait3A_837 = tpu.memref_slice %arg7[%dma_wait3A_830] : memref<2x!tpu.dma_semaphore, #tpu.memory_space<semaphore_mem>> -> memref<1x!tpu.dma_semaphore, #tpu.memory_space<semaphore_mem>>
      %dma_wait3A_838 = tpu.memref_squeeze %dma_wait3A_837 : memref<1x!tpu.dma_semaphore, #tpu.memory_space<semaphore_mem>> -> memref<!tpu.dma_semaphore, #tpu.memory_space<semaphore_mem>>
      %dma_wait3A_839 = arith.constant 0 : i32
      %dma_wait3A_840 = arith.constant 0 : i32
      %dma_wait3A_841 = tpu.memref_slice %arg5[%dma_wait3A_829, %dma_wait3A_839, %dma_wait3A_840] : memref<2x2x200xi32, #tpu.memory_space<vmem>> -> memref<1x2x200xi32, #tpu.memory_space<vmem>>
      %dma_wait3A_842 = tpu.memref_squeeze %dma_wait3A_841 : memref<1x2x200xi32, #tpu.memory_space<vmem>> -> memref<2x200xi32, #tpu.memory_space<vmem>>
      %dma_wait3A_843 = arith.constant 0 : i32
      %dma_wait3A_844 = tpu.memref_slice %arg2[%add3A_828, %dma_wait3A_843] : memref<4096x200xi32, #tpu.memory_space<hbm>> -> memref<2x200xi32, #tpu.memory_space<hbm>>
      tpu.wait_dma2 semaphore(%dma_wait3A_838 : memref<!tpu.dma_semaphore, #tpu.memory_space<semaphore_mem>>) src(%dma_wait3A_844 : memref<2x200xi32, #tpu.memory_space<hbm>>) dst(%dma_wait3A_842 : memref<2x200xi32, #tpu.memory_space<vmem>>)
      %mul3A_845 = arith.constant 2 : i32
      %mul3A_846 = arith.muli %add3A_709, %mul3A_845 : i32
      %add3A_847 = arith.addi %mul3A_2, %mul3A_846 : i32
      %dma_wait3A_848 = arith.constant 1 : i32
      %dma_wait3A_849 = arith.constant 1 : i32
      %dma_wait3A_850 = arith.constant 0 : i32
      %dma_wait3A_851 = arith.constant 0 : i32
      %dma_wait3A_852 = arith.constant 0 : i32
      %dma_wait3A_853 = tpu.memref_slice %arg6[%dma_wait3A_848, %dma_wait3A_850, %dma_wait3A_851, %dma_wait3A_852] : memref<2x2x200x128xf32, #tpu.memory_space<vmem>> -> memref<1x2x200x128xf32, #tpu.memory_space<vmem>>
      %dma_wait3A_854 = tpu.memref_squeeze %dma_wait3A_853 : memref<1x2x200x128xf32, #tpu.memory_space<vmem>> -> memref<2x200x128xf32, #tpu.memory_space<vmem>>
      %dma_wait3A_855 = arith.constant 0 : i32
      %dma_wait3A_856 = arith.constant 0 : i32
      %dma_wait3A_857 = tpu.memref_slice %arg4[%add3A_847, %dma_wait3A_855, %dma_wait3A_856] : memref<4096x200x128xf32, #tpu.memory_space<hbm>> -> memref<2x200x128xf32, #tpu.memory_space<hbm>>
      %dma_wait3A_858 = tpu.memref_slice %arg9[%dma_wait3A_849] : memref<2x!tpu.dma_semaphore, #tpu.memory_space<semaphore_mem>> -> memref<1x!tpu.dma_semaphore, #tpu.memory_space<semaphore_mem>>
      %dma_wait3A_859 = tpu.memref_squeeze %dma_wait3A_858 : memref<1x!tpu.dma_semaphore, #tpu.memory_space<semaphore_mem>> -> memref<!tpu.dma_semaphore, #tpu.memory_space<semaphore_mem>>
      %dma_wait3A_860 = arith.constant 0 : i32
      %dma_wait3A_861 = arith.constant 0 : i32
      %dma_wait3A_862 = tpu.memref_slice %arg4[%add3A_847, %dma_wait3A_860, %dma_wait3A_861] : memref<4096x200x128xf32, #tpu.memory_space<hbm>> -> memref<2x200x128xf32, #tpu.memory_space<hbm>>
      %dma_wait3A_863 = arith.constant 0 : i32
      %dma_wait3A_864 = arith.constant 0 : i32
      %dma_wait3A_865 = arith.constant 0 : i32
      %dma_wait3A_866 = tpu.memref_slice %arg6[%dma_wait3A_848, %dma_wait3A_863, %dma_wait3A_864, %dma_wait3A_865] : memref<2x2x200x128xf32, #tpu.memory_space<vmem>> -> memref<1x2x200x128xf32, #tpu.memory_space<vmem>>
      %dma_wait3A_867 = tpu.memref_squeeze %dma_wait3A_866 : memref<1x2x200x128xf32, #tpu.memory_space<vmem>> -> memref<2x200x128xf32, #tpu.memory_space<vmem>>
      tpu.wait_dma2 semaphore(%dma_wait3A_859 : memref<!tpu.dma_semaphore, #tpu.memory_space<semaphore_mem>>) src(%dma_wait3A_867 : memref<2x200x128xf32, #tpu.memory_space<vmem>>) dst(%dma_wait3A_862 : memref<2x200x128xf32, #tpu.memory_space<hbm>>)
      %dma_start3A_868 = arith.constant 1 : i32
      %dma_start3A_869 = arith.constant 0 : i32
      %dma_start3A_870 = arith.constant 1 : i32
      %dma_start3A_871 = arith.constant 0 : i32
      %dma_start3A_872 = arith.constant 1 : i32
      %dma_start3A_873 = arith.constant 0 : i32
      %dma_start3A_874 = arith.constant 0 : i32
      %dma_start3A_875 = tpu.memref_slice %arg6[%dma_start3A_870, %dma_start3A_871, %dma_start3A_873, %dma_start3A_874] : memref<2x2x200x128xf32, #tpu.memory_space<vmem>> -> memref<1x1x128x128xf32, #tpu.memory_space<vmem>>
      %dma_start3A_876 = tpu.memref_squeeze %dma_start3A_875 : memref<1x1x128x128xf32, #tpu.memory_space<vmem>> -> memref<128x128xf32, #tpu.memory_space<vmem>>
      %dma_start3A_877 = arith.constant 0 : i32
      %dma_start3A_878 = tpu.memref_slice %arg5[%dma_start3A_868, %dma_start3A_869, %dma_start3A_877] : memref<2x2x200xi32, #tpu.memory_space<vmem>> -> memref<1x1x128xi32, #tpu.memory_space<vmem>>
      %dma_start3A_879 = tpu.memref_squeeze %dma_start3A_878 : memref<1x1x128xi32, #tpu.memory_space<vmem>> -> memref<128xi32, #tpu.memory_space<vmem>>
      %dma_start3A_880 = arith.constant 0 : i32
      %dma_start3A_881 = arith.constant 0 : i32
      %dma_start3A_882 = tpu.memref_slice %arg3[%dma_start3A_880, %dma_start3A_881] : memref<1000000x128xf32, #tpu.memory_space<hbm>> -> memref<1000000x128xf32, #tpu.memory_space<hbm>>
      %dma_start3A_883 = tpu.memref_slice %arg8[%dma_start3A_872] : memref<2x!tpu.dma_semaphore, #tpu.memory_space<semaphore_mem>> -> memref<1x!tpu.dma_semaphore, #tpu.memory_space<semaphore_mem>>
      %dma_start3A_884 = tpu.memref_squeeze %dma_start3A_883 : memref<1x!tpu.dma_semaphore, #tpu.memory_space<semaphore_mem>> -> memref<!tpu.dma_semaphore, #tpu.memory_space<semaphore_mem>>
      tpu.enqueue_indirect_dma source(%dma_start3A_882 : memref<1000000x128xf32, #tpu.memory_space<hbm>>) target(%dma_start3A_876 : memref<128x128xf32, #tpu.memory_space<vmem>>) offsets(%dma_start3A_879 : memref<128xi32, #tpu.memory_space<vmem>>) semaphore(%dma_start3A_884 : memref<!tpu.dma_semaphore, #tpu.memory_space<semaphore_mem>>)
      %dma_start3A_885 = arith.constant 1 : i32
      %dma_start3A_886 = arith.constant 0 : i32
      %dma_start3A_887 = arith.constant 1 : i32
      %dma_start3A_888 = arith.constant 0 : i32
      %dma_start3A_889 = arith.constant 1 : i32
      %dma_start3A_890 = arith.constant 128 : i32
      %dma_start3A_891 = arith.constant 0 : i32
      %dma_start3A_892 = tpu.memref_slice %arg6[%dma_start3A_887, %dma_start3A_888, %dma_start3A_890, %dma_start3A_891] : memref<2x2x200x128xf32, #tpu.memory_space<vmem>> -> memref<1x1x72x128xf32, #tpu.memory_space<vmem>>
      %dma_start3A_893 = tpu.memref_squeeze %dma_start3A_892 : memref<1x1x72x128xf32, #tpu.memory_space<vmem>> -> memref<72x128xf32, #tpu.memory_space<vmem>>
      %dma_start3A_894 = arith.constant 128 : i32
      %dma_start3A_895 = tpu.memref_slice %arg5[%dma_start3A_885, %dma_start3A_886, %dma_start3A_894] : memref<2x2x200xi32, #tpu.memory_space<vmem>> -> memref<1x1x72xi32, #tpu.memory_space<vmem>>
      %dma_start3A_896 = tpu.memref_squeeze %dma_start3A_895 : memref<1x1x72xi32, #tpu.memory_space<vmem>> -> memref<72xi32, #tpu.memory_space<vmem>>
      %dma_start3A_897 = arith.constant 0 : i32
      %dma_start3A_898 = arith.constant 0 : i32
      %dma_start3A_899 = tpu.memref_slice %arg3[%dma_start3A_897, %dma_start3A_898] : memref<1000000x128xf32, #tpu.memory_space<hbm>> -> memref<1000000x128xf32, #tpu.memory_space<hbm>>
      %dma_start3A_900 = tpu.memref_slice %arg8[%dma_start3A_889] : memref<2x!tpu.dma_semaphore, #tpu.memory_space<semaphore_mem>> -> memref<1x!tpu.dma_semaphore, #tpu.memory_space<semaphore_mem>>
      %dma_start3A_901 = tpu.memref_squeeze %dma_start3A_900 : memref<1x!tpu.dma_semaphore, #tpu.memory_space<semaphore_mem>> -> memref<!tpu.dma_semaphore, #tpu.memory_space<semaphore_mem>>
      tpu.enqueue_indirect_dma source(%dma_start3A_899 : memref<1000000x128xf32, #tpu.memory_space<hbm>>) target(%dma_start3A_893 : memref<72x128xf32, #tpu.memory_space<vmem>>) offsets(%dma_start3A_896 : memref<72xi32, #tpu.memory_space<vmem>>) semaphore(%dma_start3A_901 : memref<!tpu.dma_semaphore, #tpu.memory_space<semaphore_mem>>)
      %dma_start3A_902 = arith.constant 1 : i32
      %dma_start3A_903 = arith.constant 1 : i32
      %dma_start3A_904 = arith.constant 1 : i32
      %dma_start3A_905 = arith.constant 1 : i32
      %dma_start3A_906 = arith.constant 1 : i32
      %dma_start3A_907 = arith.constant 0 : i32
      %dma_start3A_908 = arith.constant 0 : i32
      %dma_start3A_909 = tpu.memref_slice %arg6[%dma_start3A_904, %dma_start3A_905, %dma_start3A_907, %dma_start3A_908] : memref<2x2x200x128xf32, #tpu.memory_space<vmem>> -> memref<1x1x128x128xf32, #tpu.memory_space<vmem>>
      %dma_start3A_910 = tpu.memref_squeeze %dma_start3A_909 : memref<1x1x128x128xf32, #tpu.memory_space<vmem>> -> memref<128x128xf32, #tpu.memory_space<vmem>>
      %dma_start3A_911 = arith.constant 0 : i32
      %dma_start3A_912 = tpu.memref_slice %arg5[%dma_start3A_902, %dma_start3A_903, %dma_start3A_911] : memref<2x2x200xi32, #tpu.memory_space<vmem>> -> memref<1x1x128xi32, #tpu.memory_space<vmem>>
      %dma_start3A_913 = tpu.memref_squeeze %dma_start3A_912 : memref<1x1x128xi32, #tpu.memory_space<vmem>> -> memref<128xi32, #tpu.memory_space<vmem>>
      %dma_start3A_914 = arith.constant 0 : i32
      %dma_start3A_915 = arith.constant 0 : i32
      %dma_start3A_916 = tpu.memref_slice %arg3[%dma_start3A_914, %dma_start3A_915] : memref<1000000x128xf32, #tpu.memory_space<hbm>> -> memref<1000000x128xf32, #tpu.memory_space<hbm>>
      %dma_start3A_917 = tpu.memref_slice %arg8[%dma_start3A_906] : memref<2x!tpu.dma_semaphore, #tpu.memory_space<semaphore_mem>> -> memref<1x!tpu.dma_semaphore, #tpu.memory_space<semaphore_mem>>
      %dma_start3A_918 = tpu.memref_squeeze %dma_start3A_917 : memref<1x!tpu.dma_semaphore, #tpu.memory_space<semaphore_mem>> -> memref<!tpu.dma_semaphore, #tpu.memory_space<semaphore_mem>>
      tpu.enqueue_indirect_dma source(%dma_start3A_916 : memref<1000000x128xf32, #tpu.memory_space<hbm>>) target(%dma_start3A_910 : memref<128x128xf32, #tpu.memory_space<vmem>>) offsets(%dma_start3A_913 : memref<128xi32, #tpu.memory_space<vmem>>) semaphore(%dma_start3A_918 : memref<!tpu.dma_semaphore, #tpu.memory_space<semaphore_mem>>)
      %dma_start3A_919 = arith.constant 1 : i32
      %dma_start3A_920 = arith.constant 1 : i32
      %dma_start3A_921 = arith.constant 1 : i32
      %dma_start3A_922 = arith.constant 1 : i32
      %dma_start3A_923 = arith.constant 1 : i32
      %dma_start3A_924 = arith.constant 128 : i32
      %dma_start3A_925 = arith.constant 0 : i32
      %dma_start3A_926 = tpu.memref_slice %arg6[%dma_start3A_921, %dma_start3A_922, %dma_start3A_924, %dma_start3A_925] : memref<2x2x200x128xf32, #tpu.memory_space<vmem>> -> memref<1x1x72x128xf32, #tpu.memory_space<vmem>>
      %dma_start3A_927 = tpu.memref_squeeze %dma_start3A_926 : memref<1x1x72x128xf32, #tpu.memory_space<vmem>> -> memref<72x128xf32, #tpu.memory_space<vmem>>
      %dma_start3A_928 = arith.constant 128 : i32
      %dma_start3A_929 = tpu.memref_slice %arg5[%dma_start3A_919, %dma_start3A_920, %dma_start3A_928] : memref<2x2x200xi32, #tpu.memory_space<vmem>> -> memref<1x1x72xi32, #tpu.memory_space<vmem>>
      %dma_start3A_930 = tpu.memref_squeeze %dma_start3A_929 : memref<1x1x72xi32, #tpu.memory_space<vmem>> -> memref<72xi32, #tpu.memory_space<vmem>>
      %dma_start3A_931 = arith.constant 0 : i32
      %dma_start3A_932 = arith.constant 0 : i32
      %dma_start3A_933 = tpu.memref_slice %arg3[%dma_start3A_931, %dma_start3A_932] : memref<1000000x128xf32, #tpu.memory_space<hbm>> -> memref<1000000x128xf32, #tpu.memory_space<hbm>>
      %dma_start3A_934 = tpu.memref_slice %arg8[%dma_start3A_923] : memref<2x!tpu.dma_semaphore, #tpu.memory_space<semaphore_mem>> -> memref<1x!tpu.dma_semaphore, #tpu.memory_space<semaphore_mem>>
      %dma_start3A_935 = tpu.memref_squeeze %dma_start3A_934 : memref<1x!tpu.dma_semaphore, #tpu.memory_space<semaphore_mem>> -> memref<!tpu.dma_semaphore, #tpu.memory_space<semaphore_mem>>
      tpu.enqueue_indirect_dma source(%dma_start3A_933 : memref<1000000x128xf32, #tpu.memory_space<hbm>>) target(%dma_start3A_927 : memref<72x128xf32, #tpu.memory_space<vmem>>) offsets(%dma_start3A_930 : memref<72xi32, #tpu.memory_space<vmem>>) semaphore(%dma_start3A_935 : memref<!tpu.dma_semaphore, #tpu.memory_space<semaphore_mem>>)
    }
    %scan3A_324 = arith.constant 31 : i32
    %dma_wait3A_325 = arith.constant 1 : i32
    %dma_wait3A_326 = arith.constant 0 : i32
    %dma_wait3A_327 = arith.constant 1 : i32
    %dma_wait3A_328 = arith.constant 0 : i32
    %dma_wait3A_329 = arith.constant 1 : i32
    %dma_wait3A_330 = arith.constant 0 : i32
    %dma_wait3A_331 = arith.constant 0 : i32
    %dma_wait3A_332 = tpu.memref_slice %arg6[%dma_wait3A_327, %dma_wait3A_328, %dma_wait3A_330, %dma_wait3A_331] : memref<2x2x200x128xf32, #tpu.memory_space<vmem>> -> memref<1x1x128x128xf32, #tpu.memory_space<vmem>>
    %dma_wait3A_333 = tpu.memref_squeeze %dma_wait3A_332 : memref<1x1x128x128xf32, #tpu.memory_space<vmem>> -> memref<128x128xf32, #tpu.memory_space<vmem>>
    %dma_wait3A_334 = arith.constant 0 : i32
    %dma_wait3A_335 = tpu.memref_slice %arg5[%dma_wait3A_325, %dma_wait3A_326, %dma_wait3A_334] : memref<2x2x200xi32, #tpu.memory_space<vmem>> -> memref<1x1x128xi32, #tpu.memory_space<vmem>>
    %dma_wait3A_336 = tpu.memref_squeeze %dma_wait3A_335 : memref<1x1x128xi32, #tpu.memory_space<vmem>> -> memref<128xi32, #tpu.memory_space<vmem>>
    %dma_wait3A_337 = arith.constant 0 : i32
    %dma_wait3A_338 = arith.constant 0 : i32
    %dma_wait3A_339 = tpu.memref_slice %arg3[%dma_wait3A_337, %dma_wait3A_338] : memref<1000000x128xf32, #tpu.memory_space<hbm>> -> memref<1000000x128xf32, #tpu.memory_space<hbm>>
    %dma_wait3A_340 = tpu.memref_slice %arg8[%dma_wait3A_329] : memref<2x!tpu.dma_semaphore, #tpu.memory_space<semaphore_mem>> -> memref<1x!tpu.dma_semaphore, #tpu.memory_space<semaphore_mem>>
    %dma_wait3A_341 = tpu.memref_squeeze %dma_wait3A_340 : memref<1x!tpu.dma_semaphore, #tpu.memory_space<semaphore_mem>> -> memref<!tpu.dma_semaphore, #tpu.memory_space<semaphore_mem>>
    tpu.wait_indirect_dma semaphore(%dma_wait3A_341 : memref<!tpu.dma_semaphore, #tpu.memory_space<semaphore_mem>>) src(%dma_wait3A_339 : memref<1000000x128xf32, #tpu.memory_space<hbm>>) dst(%dma_wait3A_333 : memref<128x128xf32, #tpu.memory_space<vmem>>)
    %dma_wait3A_342 = arith.constant 1 : i32
    %dma_wait3A_343 = arith.constant 0 : i32
    %dma_wait3A_344 = arith.constant 1 : i32
    %dma_wait3A_345 = arith.constant 0 : i32
    %dma_wait3A_346 = arith.constant 1 : i32
    %dma_wait3A_347 = arith.constant 128 : i32
    %dma_wait3A_348 = arith.constant 0 : i32
    %dma_wait3A_349 = tpu.memref_slice %arg6[%dma_wait3A_344, %dma_wait3A_345, %dma_wait3A_347, %dma_wait3A_348] : memref<2x2x200x128xf32, #tpu.memory_space<vmem>> -> memref<1x1x72x128xf32, #tpu.memory_space<vmem>>
    %dma_wait3A_350 = tpu.memref_squeeze %dma_wait3A_349 : memref<1x1x72x128xf32, #tpu.memory_space<vmem>> -> memref<72x128xf32, #tpu.memory_space<vmem>>
    %dma_wait3A_351 = arith.constant 128 : i32
    %dma_wait3A_352 = tpu.memref_slice %arg5[%dma_wait3A_342, %dma_wait3A_343, %dma_wait3A_351] : memref<2x2x200xi32, #tpu.memory_space<vmem>> -> memref<1x1x72xi32, #tpu.memory_space<vmem>>
    %dma_wait3A_353 = tpu.memref_squeeze %dma_wait3A_352 : memref<1x1x72xi32, #tpu.memory_space<vmem>> -> memref<72xi32, #tpu.memory_space<vmem>>
    %dma_wait3A_354 = arith.constant 0 : i32
    %dma_wait3A_355 = arith.constant 0 : i32
    %dma_wait3A_356 = tpu.memref_slice %arg3[%dma_wait3A_354, %dma_wait3A_355] : memref<1000000x128xf32, #tpu.memory_space<hbm>> -> memref<1000000x128xf32, #tpu.memory_space<hbm>>
    %dma_wait3A_357 = tpu.memref_slice %arg8[%dma_wait3A_346] : memref<2x!tpu.dma_semaphore, #tpu.memory_space<semaphore_mem>> -> memref<1x!tpu.dma_semaphore, #tpu.memory_space<semaphore_mem>>
    %dma_wait3A_358 = tpu.memref_squeeze %dma_wait3A_357 : memref<1x!tpu.dma_semaphore, #tpu.memory_space<semaphore_mem>> -> memref<!tpu.dma_semaphore, #tpu.memory_space<semaphore_mem>>
    tpu.wait_indirect_dma semaphore(%dma_wait3A_358 : memref<!tpu.dma_semaphore, #tpu.memory_space<semaphore_mem>>) src(%dma_wait3A_356 : memref<1000000x128xf32, #tpu.memory_space<hbm>>) dst(%dma_wait3A_350 : memref<72x128xf32, #tpu.memory_space<vmem>>)
    %dma_wait3A_359 = arith.constant 1 : i32
    %dma_wait3A_360 = arith.constant 1 : i32
    %dma_wait3A_361 = arith.constant 1 : i32
    %dma_wait3A_362 = arith.constant 1 : i32
    %dma_wait3A_363 = arith.constant 1 : i32
    %dma_wait3A_364 = arith.constant 0 : i32
    %dma_wait3A_365 = arith.constant 0 : i32
    %dma_wait3A_366 = tpu.memref_slice %arg6[%dma_wait3A_361, %dma_wait3A_362, %dma_wait3A_364, %dma_wait3A_365] : memref<2x2x200x128xf32, #tpu.memory_space<vmem>> -> memref<1x1x128x128xf32, #tpu.memory_space<vmem>>
    %dma_wait3A_367 = tpu.memref_squeeze %dma_wait3A_366 : memref<1x1x128x128xf32, #tpu.memory_space<vmem>> -> memref<128x128xf32, #tpu.memory_space<vmem>>
    %dma_wait3A_368 = arith.constant 0 : i32
    %dma_wait3A_369 = tpu.memref_slice %arg5[%dma_wait3A_359, %dma_wait3A_360, %dma_wait3A_368] : memref<2x2x200xi32, #tpu.memory_space<vmem>> -> memref<1x1x128xi32, #tpu.memory_space<vmem>>
    %dma_wait3A_370 = tpu.memref_squeeze %dma_wait3A_369 : memref<1x1x128xi32, #tpu.memory_space<vmem>> -> memref<128xi32, #tpu.memory_space<vmem>>
    %dma_wait3A_371 = arith.constant 0 : i32
    %dma_wait3A_372 = arith.constant 0 : i32
    %dma_wait3A_373 = tpu.memref_slice %arg3[%dma_wait3A_371, %dma_wait3A_372] : memref<1000000x128xf32, #tpu.memory_space<hbm>> -> memref<1000000x128xf32, #tpu.memory_space<hbm>>
    %dma_wait3A_374 = tpu.memref_slice %arg8[%dma_wait3A_363] : memref<2x!tpu.dma_semaphore, #tpu.memory_space<semaphore_mem>> -> memref<1x!tpu.dma_semaphore, #tpu.memory_space<semaphore_mem>>
    %dma_wait3A_375 = tpu.memref_squeeze %dma_wait3A_374 : memref<1x!tpu.dma_semaphore, #tpu.memory_space<semaphore_mem>> -> memref<!tpu.dma_semaphore, #tpu.memory_space<semaphore_mem>>
    tpu.wait_indirect_dma semaphore(%dma_wait3A_375 : memref<!tpu.dma_semaphore, #tpu.memory_space<semaphore_mem>>) src(%dma_wait3A_373 : memref<1000000x128xf32, #tpu.memory_space<hbm>>) dst(%dma_wait3A_367 : memref<128x128xf32, #tpu.memory_space<vmem>>)
    %dma_wait3A_376 = arith.constant 1 : i32
    %dma_wait3A_377 = arith.constant 1 : i32
    %dma_wait3A_378 = arith.constant 1 : i32
    %dma_wait3A_379 = arith.constant 1 : i32
    %dma_wait3A_380 = arith.constant 1 : i32
    %dma_wait3A_381 = arith.constant 128 : i32
    %dma_wait3A_382 = arith.constant 0 : i32
    %dma_wait3A_383 = tpu.memref_slice %arg6[%dma_wait3A_378, %dma_wait3A_379, %dma_wait3A_381, %dma_wait3A_382] : memref<2x2x200x128xf32, #tpu.memory_space<vmem>> -> memref<1x1x72x128xf32, #tpu.memory_space<vmem>>
    %dma_wait3A_384 = tpu.memref_squeeze %dma_wait3A_383 : memref<1x1x72x128xf32, #tpu.memory_space<vmem>> -> memref<72x128xf32, #tpu.memory_space<vmem>>
    %dma_wait3A_385 = arith.constant 128 : i32
    %dma_wait3A_386 = tpu.memref_slice %arg5[%dma_wait3A_376, %dma_wait3A_377, %dma_wait3A_385] : memref<2x2x200xi32, #tpu.memory_space<vmem>> -> memref<1x1x72xi32, #tpu.memory_space<vmem>>
    %dma_wait3A_387 = tpu.memref_squeeze %dma_wait3A_386 : memref<1x1x72xi32, #tpu.memory_space<vmem>> -> memref<72xi32, #tpu.memory_space<vmem>>
    %dma_wait3A_388 = arith.constant 0 : i32
    %dma_wait3A_389 = arith.constant 0 : i32
    %dma_wait3A_390 = tpu.memref_slice %arg3[%dma_wait3A_388, %dma_wait3A_389] : memref<1000000x128xf32, #tpu.memory_space<hbm>> -> memref<1000000x128xf32, #tpu.memory_space<hbm>>
    %dma_wait3A_391 = tpu.memref_slice %arg8[%dma_wait3A_380] : memref<2x!tpu.dma_semaphore, #tpu.memory_space<semaphore_mem>> -> memref<1x!tpu.dma_semaphore, #tpu.memory_space<semaphore_mem>>
    %dma_wait3A_392 = tpu.memref_squeeze %dma_wait3A_391 : memref<1x!tpu.dma_semaphore, #tpu.memory_space<semaphore_mem>> -> memref<!tpu.dma_semaphore, #tpu.memory_space<semaphore_mem>>
    tpu.wait_indirect_dma semaphore(%dma_wait3A_392 : memref<!tpu.dma_semaphore, #tpu.memory_space<semaphore_mem>>) src(%dma_wait3A_390 : memref<1000000x128xf32, #tpu.memory_space<hbm>>) dst(%dma_wait3A_384 : memref<72x128xf32, #tpu.memory_space<vmem>>)
    %add3A_393 = arith.constant 126 : i32
    %add3A_394 = arith.addi %mul3A_2, %add3A_393 : i32
    %dma_start3A_395 = arith.constant 1 : i32
    %dma_start3A_396 = arith.constant 1 : i32
    %dma_start3A_397 = arith.constant 0 : i32
    %dma_start3A_398 = arith.constant 0 : i32
    %dma_start3A_399 = arith.constant 0 : i32
    %dma_start3A_400 = tpu.memref_slice %arg6[%dma_start3A_395, %dma_start3A_397, %dma_start3A_398, %dma_start3A_399] : memref<2x2x200x128xf32, #tpu.memory_space<vmem>> -> memref<1x2x200x128xf32, #tpu.memory_space<vmem>>
    %dma_start3A_401 = tpu.memref_squeeze %dma_start3A_400 : memref<1x2x200x128xf32, #tpu.memory_space<vmem>> -> memref<2x200x128xf32, #tpu.memory_space<vmem>>
    %dma_start3A_402 = arith.constant 0 : i32
    %dma_start3A_403 = arith.constant 0 : i32
    %dma_start3A_404 = tpu.memref_slice %arg4[%add3A_394, %dma_start3A_402, %dma_start3A_403] : memref<4096x200x128xf32, #tpu.memory_space<hbm>> -> memref<2x200x128xf32, #tpu.memory_space<hbm>>
    %dma_start3A_405 = tpu.memref_slice %arg9[%dma_start3A_396] : memref<2x!tpu.dma_semaphore, #tpu.memory_space<semaphore_mem>> -> memref<1x!tpu.dma_semaphore, #tpu.memory_space<semaphore_mem>>
    %dma_start3A_406 = tpu.memref_squeeze %dma_start3A_405 : memref<1x!tpu.dma_semaphore, #tpu.memory_space<semaphore_mem>> -> memref<!tpu.dma_semaphore, #tpu.memory_space<semaphore_mem>>
    %dma_start3A_407 = arith.constant 0 : i32
    %dma_start3A_408 = arith.constant 0 : i32
    %dma_start3A_409 = tpu.memref_slice %arg4[%add3A_394, %dma_start3A_407, %dma_start3A_408] : memref<4096x200x128xf32, #tpu.memory_space<hbm>> -> memref<2x200x128xf32, #tpu.memory_space<hbm>>
    %dma_start3A_410 = arith.constant 0 : i32
    %dma_start3A_411 = arith.constant 0 : i32
    %dma_start3A_412 = arith.constant 0 : i32
    %dma_start3A_413 = tpu.memref_slice %arg6[%dma_start3A_395, %dma_start3A_410, %dma_start3A_411, %dma_start3A_412] : memref<2x2x200x128xf32, #tpu.memory_space<vmem>> -> memref<1x2x200x128xf32, #tpu.memory_space<vmem>>
    %dma_start3A_414 = tpu.memref_squeeze %dma_start3A_413 : memref<1x2x200x128xf32, #tpu.memory_space<vmem>> -> memref<2x200x128xf32, #tpu.memory_space<vmem>>
    tpu.enqueue_dma source(%dma_start3A_414 : memref<2x200x128xf32, #tpu.memory_space<vmem>>) target(%dma_start3A_409 : memref<2x200x128xf32, #tpu.memory_space<hbm>>) target_semaphore(%dma_start3A_406 : memref<!tpu.dma_semaphore, #tpu.memory_space<semaphore_mem>>)
    %add3A_415 = arith.constant 126 : i32
    %add3A_416 = arith.addi %mul3A_2, %add3A_415 : i32
    %dma_wait3A_417 = arith.constant 0 : i32
    %dma_wait3A_418 = arith.constant 0 : i32
    %dma_wait3A_419 = arith.constant 0 : i32
    %dma_wait3A_420 = arith.constant 0 : i32
    %dma_wait3A_421 = tpu.memref_slice %arg5[%dma_wait3A_417, %dma_wait3A_419, %dma_wait3A_420] : memref<2x2x200xi32, #tpu.memory_space<vmem>> -> memref<1x2x200xi32, #tpu.memory_space<vmem>>
    %dma_wait3A_422 = tpu.memref_squeeze %dma_wait3A_421 : memref<1x2x200xi32, #tpu.memory_space<vmem>> -> memref<2x200xi32, #tpu.memory_space<vmem>>
    %dma_wait3A_423 = arith.constant 0 : i32
    %dma_wait3A_424 = tpu.memref_slice %arg2[%add3A_416, %dma_wait3A_423] : memref<4096x200xi32, #tpu.memory_space<hbm>> -> memref<2x200xi32, #tpu.memory_space<hbm>>
    %dma_wait3A_425 = tpu.memref_slice %arg7[%dma_wait3A_418] : memref<2x!tpu.dma_semaphore, #tpu.memory_space<semaphore_mem>> -> memref<1x!tpu.dma_semaphore, #tpu.memory_space<semaphore_mem>>
    %dma_wait3A_426 = tpu.memref_squeeze %dma_wait3A_425 : memref<1x!tpu.dma_semaphore, #tpu.memory_space<semaphore_mem>> -> memref<!tpu.dma_semaphore, #tpu.memory_space<semaphore_mem>>
    %dma_wait3A_427 = arith.constant 0 : i32
    %dma_wait3A_428 = arith.constant 0 : i32
    %dma_wait3A_429 = tpu.memref_slice %arg5[%dma_wait3A_417, %dma_wait3A_427, %dma_wait3A_428] : memref<2x2x200xi32, #tpu.memory_space<vmem>> -> memref<1x2x200xi32, #tpu.memory_space<vmem>>
    %dma_wait3A_430 = tpu.memref_squeeze %dma_wait3A_429 : memref<1x2x200xi32, #tpu.memory_space<vmem>> -> memref<2x200xi32, #tpu.memory_space<vmem>>
    %dma_wait3A_431 = arith.constant 0 : i32
    %dma_wait3A_432 = tpu.memref_slice %arg2[%add3A_416, %dma_wait3A_431] : memref<4096x200xi32, #tpu.memory_space<hbm>> -> memref<2x200xi32, #tpu.memory_space<hbm>>
    tpu.wait_dma2 semaphore(%dma_wait3A_426 : memref<!tpu.dma_semaphore, #tpu.memory_space<semaphore_mem>>) src(%dma_wait3A_432 : memref<2x200xi32, #tpu.memory_space<hbm>>) dst(%dma_wait3A_430 : memref<2x200xi32, #tpu.memory_space<vmem>>)
    %add3A_433 = arith.constant 124 : i32
    %add3A_434 = arith.addi %mul3A_2, %add3A_433 : i32
    %dma_wait3A_435 = arith.constant 0 : i32
    %dma_wait3A_436 = arith.constant 0 : i32
    %dma_wait3A_437 = arith.constant 0 : i32
    %dma_wait3A_438 = arith.constant 0 : i32
    %dma_wait3A_439 = arith.constant 0 : i32
    %dma_wait3A_440 = tpu.memref_slice %arg6[%dma_wait3A_435, %dma_wait3A_437, %dma_wait3A_438, %dma_wait3A_439] : memref<2x2x200x128xf32, #tpu.memory_space<vmem>> -> memref<1x2x200x128xf32, #tpu.memory_space<vmem>>
    %dma_wait3A_441 = tpu.memref_squeeze %dma_wait3A_440 : memref<1x2x200x128xf32, #tpu.memory_space<vmem>> -> memref<2x200x128xf32, #tpu.memory_space<vmem>>
    %dma_wait3A_442 = arith.constant 0 : i32
    %dma_wait3A_443 = arith.constant 0 : i32
    %dma_wait3A_444 = tpu.memref_slice %arg4[%add3A_434, %dma_wait3A_442, %dma_wait3A_443] : memref<4096x200x128xf32, #tpu.memory_space<hbm>> -> memref<2x200x128xf32, #tpu.memory_space<hbm>>
    %dma_wait3A_445 = tpu.memref_slice %arg9[%dma_wait3A_436] : memref<2x!tpu.dma_semaphore, #tpu.memory_space<semaphore_mem>> -> memref<1x!tpu.dma_semaphore, #tpu.memory_space<semaphore_mem>>
    %dma_wait3A_446 = tpu.memref_squeeze %dma_wait3A_445 : memref<1x!tpu.dma_semaphore, #tpu.memory_space<semaphore_mem>> -> memref<!tpu.dma_semaphore, #tpu.memory_space<semaphore_mem>>
    %dma_wait3A_447 = arith.constant 0 : i32
    %dma_wait3A_448 = arith.constant 0 : i32
    %dma_wait3A_449 = tpu.memref_slice %arg4[%add3A_434, %dma_wait3A_447, %dma_wait3A_448] : memref<4096x200x128xf32, #tpu.memory_space<hbm>> -> memref<2x200x128xf32, #tpu.memory_space<hbm>>
    %dma_wait3A_450 = arith.constant 0 : i32
    %dma_wait3A_451 = arith.constant 0 : i32
    %dma_wait3A_452 = arith.constant 0 : i32
    %dma_wait3A_453 = tpu.memref_slice %arg6[%dma_wait3A_435, %dma_wait3A_450, %dma_wait3A_451, %dma_wait3A_452] : memref<2x2x200x128xf32, #tpu.memory_space<vmem>> -> memref<1x2x200x128xf32, #tpu.memory_space<vmem>>
    %dma_wait3A_454 = tpu.memref_squeeze %dma_wait3A_453 : memref<1x2x200x128xf32, #tpu.memory_space<vmem>> -> memref<2x200x128xf32, #tpu.memory_space<vmem>>
    tpu.wait_dma2 semaphore(%dma_wait3A_446 : memref<!tpu.dma_semaphore, #tpu.memory_space<semaphore_mem>>) src(%dma_wait3A_454 : memref<2x200x128xf32, #tpu.memory_space<vmem>>) dst(%dma_wait3A_449 : memref<2x200x128xf32, #tpu.memory_space<hbm>>)
    %add3A_455 = arith.constant 126 : i32
    %add3A_456 = arith.addi %mul3A_2, %add3A_455 : i32
    %dma_wait3A_457 = arith.constant 1 : i32
    %dma_wait3A_458 = arith.constant 1 : i32
    %dma_wait3A_459 = arith.constant 0 : i32
    %dma_wait3A_460 = arith.constant 0 : i32
    %dma_wait3A_461 = arith.constant 0 : i32
    %dma_wait3A_462 = tpu.memref_slice %arg6[%dma_wait3A_457, %dma_wait3A_459, %dma_wait3A_460, %dma_wait3A_461] : memref<2x2x200x128xf32, #tpu.memory_space<vmem>> -> memref<1x2x200x128xf32, #tpu.memory_space<vmem>>
    %dma_wait3A_463 = tpu.memref_squeeze %dma_wait3A_462 : memref<1x2x200x128xf32, #tpu.memory_space<vmem>> -> memref<2x200x128xf32, #tpu.memory_space<vmem>>
    %dma_wait3A_464 = arith.constant 0 : i32
    %dma_wait3A_465 = arith.constant 0 : i32
    %dma_wait3A_466 = tpu.memref_slice %arg4[%add3A_456, %dma_wait3A_464, %dma_wait3A_465] : memref<4096x200x128xf32, #tpu.memory_space<hbm>> -> memref<2x200x128xf32, #tpu.memory_space<hbm>>
    %dma_wait3A_467 = tpu.memref_slice %arg9[%dma_wait3A_458] : memref<2x!tpu.dma_semaphore, #tpu.memory_space<semaphore_mem>> -> memref<1x!tpu.dma_semaphore, #tpu.memory_space<semaphore_mem>>
    %dma_wait3A_468 = tpu.memref_squeeze %dma_wait3A_467 : memref<1x!tpu.dma_semaphore, #tpu.memory_space<semaphore_mem>> -> memref<!tpu.dma_semaphore, #tpu.memory_space<semaphore_mem>>
    %dma_wait3A_469 = arith.constant 0 : i32
    %dma_wait3A_470 = arith.constant 0 : i32
    %dma_wait3A_471 = tpu.memref_slice %arg4[%add3A_456, %dma_wait3A_469, %dma_wait3A_470] : memref<4096x200x128xf32, #tpu.memory_space<hbm>> -> memref<2x200x128xf32, #tpu.memory_space<hbm>>
    %dma_wait3A_472 = arith.constant 0 : i32
    %dma_wait3A_473 = arith.constant 0 : i32
    %dma_wait3A_474 = arith.constant 0 : i32
    %dma_wait3A_475 = tpu.memref_slice %arg6[%dma_wait3A_457, %dma_wait3A_472, %dma_wait3A_473, %dma_wait3A_474] : memref<2x2x200x128xf32, #tpu.memory_space<vmem>> -> memref<1x2x200x128xf32, #tpu.memory_space<vmem>>
    %dma_wait3A_476 = tpu.memref_squeeze %dma_wait3A_475 : memref<1x2x200x128xf32, #tpu.memory_space<vmem>> -> memref<2x200x128xf32, #tpu.memory_space<vmem>>
    tpu.wait_dma2 semaphore(%dma_wait3A_468 : memref<!tpu.dma_semaphore, #tpu.memory_space<semaphore_mem>>) src(%dma_wait3A_476 : memref<2x200x128xf32, #tpu.memory_space<vmem>>) dst(%dma_wait3A_471 : memref<2x200x128xf32, #tpu.memory_space<hbm>>)
    return
  }
}

module attributes {stable_mosaic.version = 14 : i64} {
  func.func @_mask_body(%arg0: i32, %arg1: memref<512x200xi32, #tpu.memory_space<vmem>>, %arg2: memref<512x200xf32, #tpu.memory_space<vmem>>) attributes {dimension_semantics = [#tpu.dimension_semantics<arbitrary>], iteration_bounds = array<i64: 8>, scalar_prefetch = 0 : i64, scratch_operands = 0 : i64, tpu.core_type = #tpu.core_type<tc>, window_params = [{transform_indices = @transform_0, window_bounds = array<i64: 512, 200>}, {transform_indices = @transform_1, window_bounds = array<i64: 512, 200>}]} {
    %get3A = arith.constant 0 : index
    %get3A_0 = arith.constant 0 : index
    %get3A_1 = vector.load %arg1[%get3A, %get3A_0] : memref<512x200xi32, #tpu.memory_space<vmem>>, vector<512x200xi32>
    %ne3A = arith.constant 0 : i32
    %ne3A_2 = vector.broadcast %ne3A : i32 to vector<512x200xi32>
    %ne3A_3 = arith.cmpi ne, %get3A_1, %ne3A_2 : vector<512x200xi32>
    %convert_element_type3A = arith.extui %ne3A_3 : vector<512x200xi1> to vector<512x200xi32>
    %convert_element_type3A_4 = arith.sitofp %convert_element_type3A : vector<512x200xi32> to vector<512x200xf32>
    %swap3A = arith.constant 0 : index
    %swap3A_5 = arith.constant 0 : index
    %swap3A_6 = vector.load %arg2[%swap3A, %swap3A_5] : memref<512x200xf32, #tpu.memory_space<vmem>>, vector<512x200xf32>
    tpu.vector_store %arg2[%swap3A, %swap3A_5], %convert_element_type3A_4 {strides = array<i32>} : memref<512x200xf32, #tpu.memory_space<vmem>>, vector<512x200xf32>,
    return
  }
  func.func @transform_0(%arg0: i32) -> (i32, i32) {
    %c0_i32 = arith.constant 0 : i32
    %c0_i32_0 = arith.constant 0 : i32
    return %arg0, %c0_i32 : i32, i32
  }
  func.func @transform_1(%arg0: i32) -> (i32, i32) {
    %c0_i32 = arith.constant 0 : i32
    %c0_i32_0 = arith.constant 0 : i32
    return %arg0, %c0_i32 : i32, i32
  }
}

module attributes {stable_mosaic.version = 14 : i64} {
  func.func @_tpose_body(%arg0: i32, %arg1: memref<64x15360xf32, #tpu.memory_space<vmem>>, %arg2: memref<15360x128xf32, #tpu.memory_space<vmem>>) attributes {dimension_semantics = [#tpu.dimension_semantics<arbitrary>], iteration_bounds = array<i64: 66>, scalar_prefetch = 0 : i64, scratch_operands = 0 : i64, tpu.core_type = #tpu.core_type<tc>, window_params = [{transform_indices = @transform_0, window_bounds = array<i64: 64, 15360>}, {transform_indices = @transform_1, window_bounds = array<i64: 15360, 128>}]} {
    %get3A = arith.constant 0 : index
    %get3A_0 = arith.constant 0 : index
    %get3A_1 = vector.load %arg1[%get3A, %get3A_0] : memref<64x15360xf32, #tpu.memory_space<vmem>>, vector<64x15360xf32>
    %transpose3A = tpu.transpose %get3A_1, [1, 0] : vector<64x15360xf32> -> vector<15360x64xf32>
    %broadcast_in_dim3A = arith.constant 0.000000e+00 : f32
    %broadcast_in_dim3A_2 = vector.broadcast %broadcast_in_dim3A : f32 to vector<15360x64xf32>
    %concatenate3A = tpu.concatenate %transpose3A, %broadcast_in_dim3A_2 in 1 : vector<15360x64xf32>, vector<15360x64xf32> -> vector<15360x128xf32>
    %swap3A = arith.constant 0 : index
    %swap3A_3 = arith.constant 0 : index
    %swap3A_4 = vector.load %arg2[%swap3A, %swap3A_3] : memref<15360x128xf32, #tpu.memory_space<vmem>>, vector<15360x128xf32>
    tpu.vector_store %arg2[%swap3A, %swap3A_3], %concatenate3A {strides = array<i32>} : memref<15360x128xf32, #tpu.memory_space<vmem>>, vector<15360x128xf32>,
    return
  }
  func.func @transform_0(%arg0: i32) -> (i32, i32) {
    %c0_i32 = arith.constant 0 : i32
    %c0_i32_0 = arith.constant 0 : i32
    return %c0_i32, %arg0 : i32, i32
  }
  func.func @transform_1(%arg0: i32) -> (i32, i32) {
    %c0_i32 = arith.constant 0 : i32
    %c0_i32_0 = arith.constant 0 : i32
    return %arg0, %c0_i32 : i32, i32
  }
}

</mosaic_0001>

<sc_bundles>
// kernel: kernel.5.cloned.1.call-start
scs
__scs_entry_jumppad:
0x0: {  	(pc) =	sbr.rel $0x88, $3  }
0x1: {  	(tag) =	ssettag $0x0;
	lr =	simm.s32 $0x1  }
0x2: {  	[smem:$0x3F9F] =	sst lr;
	_ =	strace $0xD0000000  }
0x3: {  	_ = 	snop  }
0x4: {  	_ = 	snop  }
0x5: {  	_ = 	snop  }
0x6: {  	_ = 	snop  }
0x7: {  	_ = 	snop  }
__scs_overlays_trampoline_lowered:
0x8: {  	[smem:$0x3FAE] =	sst s0  }
0x9: {  	[smem:$0x3FAF] =	sst s1  }
0xa: {  	[smem:$0x3FB0] =	sst s2  }
0xb: {  	[smem:$0x3FB1] =	sst s3  }
0xc: {  	[smem:$0x3FB2] =	sst s4  }
0xd: {  	[smem:$0x3FB3] =	sst s5  }
0xe: {  	[smem:$0x3FB4] =	sst s6  }
0xf: {  	[smem:$0x3FB5] =	sst s7  }
0x10: {  	[smem:$0x3FB6] =	sst s8  }
0x11: {  	[smem:$0x3FB7] =	sst s9;
	s0 =	simm.s32 @!p0 $0x0  }
0x12: {  	s1 =	sld [smem:$0x3F9D];
	s0 =	simm.s32 @p0 $0x1  }
0x13: {  	[smem:$0x3FB8] =	sst s0;
	s0 =	simm.s32 @!p1 $0x0  }
0x14: {  	s2 =	sld [smem:$0x3F9C];
	s0 =	simm.s32 @p1 $0x1  }
0x15: {  	[smem:$0x3FB9] =	sst s0;
	s0 =	simm.s32 @!p2 $0x0  }
0x16: {  	s3 =	sld [smem:$0x3FDB];
	s0 =	simm.s32 @p2 $0x1  }
0x17: {  	s4 =	simm.s32 $0x1BF5;
	[smem:$0x3FBB] =	sst s0  }
0x18: {  	s0 =	sld [smem:$0x3F9E];
	_ =	swait.ge [sflag:s4], $0x0  }
0x19: {  	s7 =	sld [smem:$0x3F9F]  }
0x1a: {  	s8 =	sadd.s32 $0xFFFFE003, lr  }
0x1b: {  	s9 =	sadd.s32 $0xFFFFFEF7, lr;
	s5 =	simm.s32 $0xFFFFFFFF;
	p2 =	slt.u32 s8, $0xFFFFF086  }
0x1c: {  	p1 =	slt.u32 s9, $0xF7A;
	s5 =	simm.s32 @!p2 $0x0  }
0x1d: {  	s5 =	simm.s32 @p1 $0x1;
	p0 =	seq.s32 s7, s2  }
0x1e: {  	s7 =	smul.u32 @!p0 $0xF7A, s2;
	p2 =	seq.s32 @!p0 s5, $0x0  }
0x1f: {  	s9 =	smul.u32 $0xF7A, s1;
	s8 =	simm.s32 @!p0 $0x1BF5;
	p2 =	por !p2, p0  }
0x20: {  	[sflag:s8] =	ssyncset.s32 @!p0 $0xFFFFF086;
	s6 =	sadd.s32 @!p0 s3, s7;
	s7 =	simm.s32 @!p0 $0x108  }
0x21: {  	s3 =	sadd.s32 s3, s9;
	s6 =	sadd.s32 @!p0 $0x88, s6;
	s7 =	simm.s32 @p2 $0x1082  }
0x22: {  	[simem:s7], [sflag:s8] =	dma.local @!p0 [hbm:s6], $0xF7A  }
0x23: {  	s9 =	sor.u32 $0xD0000000, s2;
	s6 =	simm.s32 $0x108;
	_ =	swait.ge @!p0 [sflag:s8], $0x0  }
0x24: {  	s3 =	sadd.s32 $0x88, s3;
	s6 =	simm.s32 @!p1 $0x1082;
	[sflag:s4] =	ssyncset.s32 $0xFFFFF086  }
0x25: {  	[simem:s6], [sflag:s4] =	dma.local [hbm:s3], $0xF7A  }
0x26: {  	[smem:$0x3F9F] =	sst s1;
	(tag) =	ssettag s2;
	_ =	strace s9  }
0x27: {  	s1 =	sld [smem:$0x3FAF]  }
0x28: {  	s2 =	sld [smem:$0x3FB0]  }
0x29: {  	s4 =	sld [smem:$0x3FB2]  }
0x2a: {  	p0 =	seq.s32 s5, $0x0;
	s5 =	sld [smem:$0x3FB3]  }
0x2b: {  	s6 =	sld [smem:$0x3FB4]  }
0x2c: {  	s7 =	sld [smem:$0x3FB5]  }
0x2d: {  	s3 =	simm.s32 $0x108;
	s8 =	sld [smem:$0x3FB6]  }
0x2e: {  	s3 =	simm.s32 @!p0 $0x1082;
	s9 =	sld [smem:$0x3FB7]  }
0x2f: {  	lr =	sadd.s32 s0, s3;
	s0 =	sld [smem:$0x3FAE]  }
0x30: {  	s3 =	sld [smem:$0x3FB1]  }
0x31: {  	[smem:$0x3FBA] =	sst s10  }
0x32: {  	s10 =	sld [smem:$0x3FB8];
	_ =	sdelay $0x3  }
0x33: {  	p0 =	seq.s32 s10, $0x1;
	s10 =	sld [smem:$0x3FBA];
	_ =	sdelay $0x3  }
0x34: {  	[smem:$0x3FBA] =	sst s10  }
0x35: {  	s10 =	sld [smem:$0x3FB9];
	_ =	sdelay $0x3  }
0x36: {  	p1 =	seq.s32 s10, $0x1;
	s10 =	sld [smem:$0x3FBA];
	_ =	sdelay $0x3  }
0x37: {  	[smem:$0x3FBA] =	sst s10  }
0x38: {  	s10 =	sld [smem:$0x3FBB]  }
0x39: {  	_ = 	snop;
	(pc) =	sbr.ind lr, $3  }
0x3a: {  	_ = 	snop  }
0x3b: {  	_ = 	snop  }
0x3c: {  	p2 =	seq.s32 s10, $0x1;
	s10 =	sld [smem:$0x3FBA]  }
0x3d: {  	_ =	shalt  }
0x3e: {  	_ =	shalt  }
0x3f: {  	_ =	shalt  }
0x40: {  	_ =	shalt  }
0x41: {  	_ =	shalt  }
0x42: {  	_ =	shalt  }
0x43: {  	_ =	shalt  }
0x44: {  	_ =	shalt  }
0x45: {  	_ =	shalt  }
0x46: {  	_ =	shalt  }
0x47: {  	_ =	shalt  }
0x48: {  	_ =	shalt  }
0x49: {  	_ =	shalt  }
0x4a: {  	_ =	shalt  }
0x4b: {  	_ =	shalt  }
0x4c: {  	_ =	shalt  }
0x4d: {  	_ =	shalt  }
0x4e: {  	_ =	shalt  }
0x4f: {  	_ =	shalt  }
0x50: {  	_ =	shalt  }
0x51: {  	_ =	shalt  }
0x52: {  	_ =	shalt  }
0x53: {  	_ =	shalt  }
0x54: {  	_ =	shalt  }
0x55: {  	_ =	shalt  }
0x56: {  	_ =	shalt  }
0x57: {  	_ =	shalt  }
0x58: {  	_ =	shalt  }
0x59: {  	_ =	shalt  }
0x5a: {  	_ =	shalt  }
0x5b: {  	_ =	shalt  }
0x5c: {  	_ =	shalt  }
0x5d: {  	_ =	shalt  }
0x5e: {  	_ =	shalt  }
0x5f: {  	_ =	shalt  }
0x60: {  	_ =	shalt  }
0x61: {  	_ =	shalt  }
0x62: {  	_ =	shalt  }
0x63: {  	_ =	shalt  }
0x64: {  	_ =	shalt  }
0x65: {  	_ =	shalt  }
0x66: {  	_ =	shalt  }
0x67: {  	_ =	shalt  }
0x68: {  	_ =	shalt  }
0x69: {  	_ =	shalt  }
0x6a: {  	_ =	shalt  }
0x6b: {  	_ =	shalt  }
0x6c: {  	_ =	shalt  }
0x6d: {  	_ =	shalt  }
0x6e: {  	_ =	shalt  }
0x6f: {  	_ =	shalt  }
0x70: {  	_ =	shalt  }
0x71: {  	_ =	shalt  }
0x72: {  	_ =	shalt  }
0x73: {  	_ =	shalt  }
0x74: {  	_ =	shalt  }
0x75: {  	_ =	shalt  }
0x76: {  	_ =	shalt  }
0x77: {  	_ =	shalt  }
0x78: {  	_ =	shalt  }
0x79: {  	_ =	shalt  }
0x7a: {  	_ =	shalt  }
0x7b: {  	_ =	shalt  }
0x7c: {  	_ =	shalt  }
0x7d: {  	_ =	shalt  }
0x7e: {  	_ =	shalt  }
0x7f: {  	_ =	shalt  }
0x80: {  	_ =	shalt  }
0x81: {  	_ =	shalt  }
0x82: {  	_ =	shalt  }
0x83: {  	_ =	shalt  }
0x84: {  	_ =	shalt  }
0x85: {  	_ =	shalt  }
0x86: {  	_ =	shalt  }
0x87: {  	_ =	shalt  }
.Lfunc_end0:
.L_simem_size_0:
called_computation.1_lowered:
.L_overlay_start_0:
0x88: {  	s2 =	sld [smem:$0x3FD9]  }
0x89: {  	s3 =	sld [smem:$0x3FFE];
	_ =	sdelay $0x1  }
0x8a: {  	s1 =	srdreg.scid  }
0x8b: {  	s0 =	sand.u32 $0x1, s1  }
0x8c: {  	s16 =	sshll.u32 s0, $0xA;
	s2 =	sadd.s32 s3, s2  }
0x8d: {  	s2 =	sadd.s32 s2, s16  }
0x8e: {  	[smem:$0x3FC6] =	sst s2  }
0x8f: {  	_ = 	snop  }
0x90: {  	(tm) =	ssettm $0x1  }
0x91: {  	s17 =	sld [smem:$0x3FFB];
	_ =	sdelay $0x3  }
0x92: {  	_ =	strace s17  }
0x93: {  	s2 =	sld [smem:$0x3FFC];
	_ =	sdelay $0x3  }
0x94: {  	_ =	strace s2  }
0x95: {  	s2 =	sld [smem:$0x3FFD];
	_ =	sdelay $0x3  }
0x96: {  	_ =	strace s2  }
0x97: {  	_ =	strace $0x8FFFFFFF  }
0x98: {  	s18 =	sld [smem:$0x3FDB];
	_ =	sdelay $0x1  }
0x99: {  	s19 =	simm.s32 $_scs_section_size  }
0x9a: {  	s4 =	simm.s32 $_size__tile_overlayer_lowered;
	s5 =	simm.s32 $_tile_overlayer_lowered  }
0x9b: {  	s22 =	simm.s32 $0x1BFF;
	s21 =	sshll.u32 s5, $0x1;
	s2 =	sadd.s32 s19, s18  }
0x9c: {  	s6 =	simm.s32 $0x0;
	s20 =	sshll.u32 s4, $0x1;
	s4 =	sadd.s32 s21, s2  }
0x9d: {  	[timem:s6], [sflag:s22] =	dma.local [hbm:s4], s20  }
0x9e: {  	_ =	swait.ge [sflag:s22], s20  }
0x9f: {  	s3 =	ssub.s32 $0x0, s20;
	[sflag:s22] =	ssyncset.done $0x0  }
0xa0: {  	[sflag:s22] =	ssyncadd.s32 s3;
	_ =	sdelay $0x1  }
0xa1: {  	s23 =	simm.s32 $0x1B8B  }
0xa2: {  	_ =	swait.ge [sflag:s23], $0x1  }
0xa3: {  	[sflag:s23] =	ssyncset.done $0x0  }
0xa4: {  	s25 =	simm.s32 $0x1B8E;
	s24 =	sld [smem:$0x3FFE];
	[sflag:s23] =	ssyncadd.s32 $0xFFFFFFFF  }
0xa5: {  	s26 =	simm.s32 $execute0_lowered;
	[smem:$0x3FD2] =	sst s25  }
0xa6: {  	s4 =	sshll.u32 s26, $0x1;
	_ =	strace $0x80000046;
	[dreg:$0x1] =	wrdreg $0xFFFFFFFF  }
0xa7: {  	s28 =	simm.s32 $_size_execute0_lowered;
	s2 =	sadd.s32 s2, s4;
	[dreg:$0x0] =	wrdreg $0x0  }
0xa8: {  	s4 =	sshll.u32 s28, $0x1;
	[dreg:$0x2] =	wrdreg s2  }
0xa9: {  	[dreg:$0x3] =	wrdreg s4  }
0xaa: {  	[dreg:$0x4] =	wrdreg $0xC0  }
0xab: {  	_ =	task [dreg:s6], $0x5FFFF  }
0xac: {  	[dreg:$0x1] =	wrdreg $0xFFFFFFFF  }
0xad: {  	[dreg:$0x0] =	wrdreg $0x60  }
0xae: {  	[dreg:$0x2] =	wrdreg s24  }
0xaf: {  	[dreg:$0x3] =	wrdreg $0x9  }
0xb0: {  	_ =	task.clear_ibuf [dreg:s6], $0x4FFFF;
	_ =	strace $0x90000046  }
0xb1: {  	s29 =	simm.s32 $0x9;
	_ =	strace $0x80000048  }
0xb2: {  	_ =	swait.ge [sflag:s29], $0x1  }
0xb3: {  	[sflag:s29] =	ssyncadd.s32 $0xFFFFFFFF  }
0xb4: {  	_ =	strace $0x90000048  }
0xb5: {  	_ =	sfence  }
0xb6: {  	s30 =	sld [smem:$0x0];
	_ =	sdelay $0x2  }
0xb7: {  	s31 =	sshll.u32 s1, $0xD;
	s1 =	sshrl.u32 s1, $0x2  }
0xb8: {  	s3 =	sand.u32 $0x4000, s31;
	s1 =	sadd.s32 s1, s30  }
0xb9: {  	s0 =	sor.u32 s3, s0;
	s1 =	sshll.u32 s1, $0x11  }
0xba: {  	s0 =	sor.u32 s1, s0  }
0xbb: {  	s0 =	sadd.s32 $0x8F2B, s0  }
0xbc: {  	[sflag:s0] =	ssyncadd.remote.s32 $0x1  }
0xbd: {  	_ =	sfence.sel $0xFFFF  }
0xbe: {  	[dreg:$0x0] =	wrdreg $0xFFFFFFFF;
	(pc) =	sbr.abs _section_cstart, $3  }
0xbf: {  	[dreg:$0x1] =	wrdreg $0xFFFFFFFF  }
0xc0: {  	_ =	task.clear_ibuf [dreg:s6], $0x2FFFF;
	_ =	strace $0x9FFFFFFF  }
0xc1: {  	(tm) =	ssettm $0x7FFFFFFF  }
tec
execute0_lowered:
.L_overlay_start_1:
0x0: {  	(tag) =	ssettag $0x1  }
0x1: {  	s0 =	rddreg [dreg:$0x0];
	s1 =	simm.s32 $0x0;
	s2 =	srdreg.scid  }
0x2: {  	s10 =	stileid.u32;
	s13 =	simm.s32 $0x100;
	s14 =	simm.s32 $0x400  }
0x3: {  	s15 =	simm.s32 $0x200;
	s16 =	simm.s32 $0x1;
	s17 =	simm.s32 $0x80  }
0x4: {  	s18 =	simm.s32 $0x48;
	s19 =	simm.s32 $0x6800;
	s28 =	simm.s32 $0x10C00  }
0x5: {  	s31 =	simm.s32 $0x380;
	s30 =	simm.s32 $0x10C00;
	s29 =	simm.s32 $0x300  }
0x6: {  	[smem:$0x7FF] =	sst s1;
	s3 =	sadd.s32 $0xA00, s0;
	s2 =	sand.u32 $0x1, s2  }
0x7: {  	s4 =	sadd.s32 $0x20A00, s0;
	s5 =	sshll.u32 s10, $0x8;
	s0 =	sadd.s32 $0xF62E00, s0  }
0x8: {  	s22 =	smul.u32 $0xC8000, s10;
	s25 =	sshll.u32 s10, $0xD;
	_ =	strace $0x80000047  }
0x9: {  	s6 =	sshll.u32 s2, $0x7;
	s7 =	ssub.s32 $0x2, s2;
	s24 =	smul.u32 $0x64000, s2  }
0xa: {  	s2 =	sshll.u32 s2, $0xC;
	s6 =	sor.u32 s6, s5;
	s8 =	sshrl.u32 s7, $0x1  }
0xb: {  	s26 =	sor.u32 s2, s25;
	s25 =	simm.s32 $0xCC00;
	s2 =	simm.s32 $0x4  }
0xc: {  	s5 =	sshll.u32 s6, $0x5;
	s9 =	smul.u32 $0x6400, s6;
	s7 =	ssub.s32 s7, s8  }
0xd: {  	s6 =	smul.u32 $0xC80, s6;
	s8 =	simm.s32 $0x6;
	s11 =	sadd.s32 s3, s5  }
0xe: {  	s7 =	smax.u32 s7, $0x1;
	s20 =	sadd.s32 $0x20, s11;
	[dreg:$0x3] =	wrdreg s11  }
0xf: {  	s21 =	sshrl.u32 s9, $0x3;
	s6 =	sadd.s32 s0, s6;
	[dreg:$0x8] =	wrdreg s7  }
0x10: {  	s11 =	sadd.s32 $0x40, s11;
	s7 =	simm.s32 $0x5;
	[dreg:$0x4] =	wrdreg s20  }
0x11: {  	s9 =	simm.s32 $0x0;
	[dreg:$0x5] =	wrdreg s6;
	s23 =	sadd.s32 s0, s21  }
0x12: {  	[dreg:$0x6] =	wrdreg s11;
	s0 =	sadd.s32 s22, s0;
	s21 =	simm.s32 $0x4400  }
0x13: {  	s20 =	simm.s32 $0x180;
	s22 =	simm.s32 $0xA800;
	s6 =	sadd.s32 $0x62700, s23  }
0x14: {  	s0 =	sadd.s32 s24, s0;
	s23 =	simm.s32 $0x3;
	[dreg:$0x7] =	wrdreg s6  }
0x15: {  	s24 =	simm.s32 $0x2;
	[dreg:$0x2] =	wrdreg s0;
	s0 =	sor.u32 $0xC0, s26  }
0x16: {  	s26 =	simm.s32 $0x300;
	[dreg:$0x9] =	wrdreg s0;
	s0 =	simm.s32 $0x17000  }
.LBB2_1:
0x17: {  	[dreg:$0xa] =	wrdreg s9  }
0x18: {  	s6 =	rddreg [dreg:$0x3]  }
0x19: {  	[tilespmem:s1], [sflag:$0x1] =	stream.strided.gather [hbm4b:s6+s13], $0x200, s14, s13, $0x38;
	[tilespmem:$0x19400] =	vst v63  }
0x1a: {  	s11 =	rddreg [dreg:$0x4]  }
0x1b: {  	[tilespmem:s15], [sflag:$0x2] =	stream.strided.gather [hbm4b:s11+s13], $0x200, s14, s13, $0x38;
	[tilespmem:$0x19400] =	vst v63  }
0x1c: {  	_ =	swait.ge [sflag:s16], $0x200  }
0x1d: {  	[sflag:s16] =	ssyncset.done $0x0  }
0x1e: {  	[sflag:s16] =	ssyncadd.s32 $0xFFFFFE00  }
0x1f: {  	[tilespmem:s14], [sflag:$0x3] =	stream.indirect.gather [hbm4b:s4+s17], $0x80, s1, s17, $0xb8;
	[tilespmem:$0x19400] =	vst v63  }
0x20: {  	_ = 	snop  }
0x21: {  	[tilespmem:s21], [sflag:$0x3] =	stream.indirect.gather [hbm4b:s4+s18], $0x80, s13, s18, $0xb8;
	[tilespmem:$0x19400] =	vst v63  }
0x22: {  	_ = 	snop  }
0x23: {  	[tilespmem:s19], [sflag:$0x3] =	stream.indirect.gather [hbm4b:s4+s17], $0x80, s17, s17, $0xb8;
	[tilespmem:$0x19400] =	vst v63  }
0x24: {  	_ = 	snop  }
0x25: {  	[tilespmem:s22], [sflag:$0x3] =	stream.indirect.gather [hbm4b:s4+s18], $0x80, s20, s18, $0xb8;
	[tilespmem:$0x19400] =	vst v63  }
0x26: {  	_ =	swait.ge [sflag:s23], $0x4000  }
0x27: {  	[sflag:s23] =	ssyncset.done $0x0  }
0x28: {  	[sflag:s23] =	ssyncadd.s32 $0xFFFFC000  }
0x29: {  	_ =	swait.ge [sflag:s23], $0x2400  }
0x2a: {  	[sflag:s23] =	ssyncset.done $0x0  }
0x2b: {  	[sflag:s23] =	ssyncadd.s32 $0xFFFFDC00  }
0x2c: {  	_ =	swait.ge [sflag:s23], $0x4000  }
0x2d: {  	[sflag:s23] =	ssyncset.done $0x0  }
0x2e: {  	[sflag:s23] =	ssyncadd.s32 $0xFFFFC000  }
0x2f: {  	_ =	swait.ge [sflag:s23], $0x2400  }
0x30: {  	[sflag:s23] =	ssyncset.done $0x0  }
0x31: {  	s12 =	rddreg [dreg:$0x5];
	[sflag:s23] =	ssyncadd.s32 $0xFFFFDC00  }
0x32: {  	[hbm4b:s12+s1] =	stream.linear.scatter [tilespmem:s14], [sflag:$0x5], $0xC800, $0x38;
	[tilespmem:$0x19400] =	vst v63  }
0x33: {  	s9 =	rddreg [dreg:$0x6]  }
0x34: {  	[tilespmem:s1], [sflag:$0x1] =	stream.strided.gather [hbm4b:s9+s13], $0x200, s14, s13, $0x38;
	[tilespmem:$0x19400] =	vst v63  }
0x35: {  	_ =	swait.ge [sflag:s24], $0x200  }
0x36: {  	[sflag:s24] =	ssyncset.done $0x0  }
0x37: {  	[sflag:s24] =	ssyncadd.s32 $0xFFFFFE00  }
0x38: {  	[tilespmem:s25], [sflag:$0x4] =	stream.indirect.gather [hbm4b:s4+s17], $0x80, s15, s17, $0xb8;
	[tilespmem:$0x19400] =	vst v63  }
0x39: {  	_ = 	snop  }
0x3a: {  	[tilespmem:s28], [sflag:$0x4] =	stream.indirect.gather [hbm4b:s4+s18], $0x80, s26, s18, $0xb8;
	[tilespmem:$0x19400] =	vst v63  }
0x3b: {  	s10 =	simm.s32 $0x280;
	s11 =	simm.s32 $0x13000  }
0x3c: {  	[tilespmem:s11], [sflag:$0x4] =	stream.indirect.gather [hbm4b:s4+s17], $0x80, s10, s17, $0xb8;
	[tilespmem:$0x19400] =	vst v63  }
0x3d: {  	_ = 	snop  }
0x3e: {  	[tilespmem:s0], [sflag:$0x4] =	stream.indirect.gather [hbm4b:s4+s18], $0x80, s31, s18, $0xb8;
	[tilespmem:$0x19400] =	vst v63  }
0x3f: {  	_ =	swait.ge [sflag:s2], $0x4000  }
0x40: {  	[sflag:s2] =	ssyncset.done $0x0  }
0x41: {  	[sflag:s2] =	ssyncadd.s32 $0xFFFFC000  }
0x42: {  	_ =	swait.ge [sflag:s2], $0x2400  }
0x43: {  	[sflag:s2] =	ssyncset.done $0x0  }
0x44: {  	[sflag:s2] =	ssyncadd.s32 $0xFFFFDC00  }
0x45: {  	_ =	swait.ge [sflag:s2], $0x4000  }
0x46: {  	[sflag:s2] =	ssyncset.done $0x0  }
0x47: {  	s10 =	simm.s32 $0x60;
	[sflag:s2] =	ssyncadd.s32 $0xFFFFC000  }
0x48: {  	s10 =	sand.u32 $0x60, s10;
	_ =	swait.ge [sflag:s2], $0x2400  }
0x49: {  	s10 =	sadd.s32 s3, s10;
	s12 =	rddreg [dreg:$0x2]  }
0x4a: {  	[sflag:s2] =	ssyncset.done $0x0;
	s9 =	rddreg [dreg:$0x9];
	s6 =	sadd.s32 $0x0, s12  }
0x4b: {  	s11 =	sand.u32 $0x3FF00, s9;
	[sflag:s2] =	ssyncadd.s32 $0xFFFFDC00;
	s12 =	sadd.s32 $0x1900, s6  }
0x4c: {  	[hbm4b:s12+s1] =	stream.linear.scatter [tilespmem:s25], [sflag:$0x6], $0xC800, $0x38;
	[tilespmem:$0x19400] =	vst v63  }
0x4d: {  	s10 =	sadd.s32 s11, s10  }
0x4e: {  	[tilespmem:s15], [sflag:$0x2] =	stream.strided.gather [hbm4b:s10+s13], $0x200, s14, s13, $0x38;
	[tilespmem:$0x19400] =	vst v63  }
0x4f: {  	_ =	swait.ge [sflag:s16], $0x200  }
0x50: {  	[sflag:s16] =	ssyncset.done $0x0  }
0x51: {  	[sflag:s16] =	ssyncadd.s32 $0xFFFFFE00  }
0x52: {  	_ =	swait.ge [sflag:s7], $0xC800  }
0x53: {  	[sflag:s7] =	ssyncset.done $0x0  }
0x54: {  	[sflag:s7] =	ssyncadd.s32 $0xFFFF3800  }
0x55: {  	[tilespmem:s14], [sflag:$0x3] =	stream.indirect.gather [hbm4b:s4+s17], $0x80, s1, s17, $0xb8;
	[tilespmem:$0x19400] =	vst v63  }
0x56: {  	_ = 	snop  }
0x57: {  	[tilespmem:s21], [sflag:$0x3] =	stream.indirect.gather [hbm4b:s4+s18], $0x80, s13, s18, $0xb8;
	[tilespmem:$0x19400] =	vst v63  }
0x58: {  	_ = 	snop  }
0x59: {  	[tilespmem:s19], [sflag:$0x3] =	stream.indirect.gather [hbm4b:s4+s17], $0x80, s17, s17, $0xb8;
	[tilespmem:$0x19400] =	vst v63  }
0x5a: {  	_ = 	snop  }
0x5b: {  	[tilespmem:s22], [sflag:$0x3] =	stream.indirect.gather [hbm4b:s4+s18], $0x80, s20, s18, $0xb8;
	[tilespmem:$0x19400] =	vst v63  }
0x5c: {  	_ =	swait.ge [sflag:s23], $0x4000  }
0x5d: {  	[sflag:s23] =	ssyncset.done $0x0  }
0x5e: {  	[sflag:s23] =	ssyncadd.s32 $0xFFFFC000  }
0x5f: {  	_ =	swait.ge [sflag:s23], $0x2400  }
0x60: {  	[sflag:s23] =	ssyncset.done $0x0  }
0x61: {  	[sflag:s23] =	ssyncadd.s32 $0xFFFFDC00  }
0x62: {  	_ =	swait.ge [sflag:s23], $0x4000  }
0x63: {  	s20 =	smin.u32 s1, $0x3B;
	[sflag:s23] =	ssyncset.done $0x0  }
0x64: {  	s6 =	sadd.s32 $0x3200, s6;
	s10 =	sadd.s32 $0x4, s20;
	[sflag:s23] =	ssyncadd.s32 $0xFFFFC000  }
0x65: {  	s21 =	sshll.u32 s10, $0x6;
	s10 =	sshll.u32 s10, $0x5;
	_ =	swait.ge [sflag:s23], $0x2400  }
0x66: {  	s11 =	sadd.s32 s5, s21;
	s10 =	sand.u32 $0x60, s10;
	[sflag:s23] =	ssyncset.done $0x0  }
0x67: {  	s22 =	sand.u32 $0x3FF00, s11;
	s10 =	sadd.s32 s3, s10;
	[sflag:s23] =	ssyncadd.s32 $0xFFFFDC00  }
0x68: {  	[hbm4b:s6+s1] =	stream.linear.scatter [tilespmem:s14], [sflag:$0x5], $0xC800, $0x38;
	[tilespmem:$0x19400] =	vst v63  }
0x69: {  	s6 =	sadd.s32 s22, s10  }
0x6a: {  	[tilespmem:s1], [sflag:$0x1] =	stream.strided.gather [hbm4b:s6+s13], $0x200, s14, s13, $0x38;
	[tilespmem:$0x19400] =	vst v63  }
0x6b: {  	_ =	swait.ge [sflag:s24], $0x200  }
0x6c: {  	[sflag:s24] =	ssyncset.done $0x0  }
0x6d: {  	[sflag:s24] =	ssyncadd.s32 $0xFFFFFE00  }
0x6e: {  	_ =	swait.ge [sflag:s8], $0xC800  }
0x6f: {  	[sflag:s8] =	ssyncset.done $0x0  }
0x70: {  	s12 =	simm.s32 $0xA0;
	[sflag:s8] =	ssyncadd.s32 $0xFFFF3800  }
0x71: {  	[tilespmem:s25], [sflag:$0x4] =	stream.indirect.gather [hbm4b:s4+s17], $0x80, s15, s17, $0xb8;
	[tilespmem:$0x19400] =	vst v63  }
0x72: {  	s11 =	simm.s32 $0x2;
	s10 =	simm.s32 $0x3200;
	s22 =	simm.s32 $0x6800  }
0x73: {  	[tilespmem:s28], [sflag:$0x4] =	stream.indirect.gather [hbm4b:s4+s18], $0x80, s26, s18, $0xb8;
	[tilespmem:$0x19400] =	vst v63  }
0x74: {  	s6 =	sadd.s32 $0x80, s9;
	s28 =	simm.s32 $0xA800;
	s26 =	simm.s32 $0x180  }
.LBB2_2:
0x75: {  	s9 =	simm.s32 $0x280;
	s19 =	simm.s32 $0x13000  }
0x76: {  	[tilespmem:s19], [sflag:$0x4] =	stream.indirect.gather [hbm4b:s4+s17], $0x80, s9, s17, $0xb8;
	[tilespmem:$0x19400] =	vst v63  }
0x77: {  	_ = 	snop  }
0x78: {  	[tilespmem:s0], [sflag:$0x4] =	stream.indirect.gather [hbm4b:s4+s18], $0x80, s31, s18, $0xb8;
	[tilespmem:$0x19400] =	vst v63  }
0x79: {  	_ =	swait.ge [sflag:s2], $0x4000  }
0x7a: {  	[sflag:s2] =	ssyncset.done $0x0  }
0x7b: {  	[sflag:s2] =	ssyncadd.s32 $0xFFFFC000  }
0x7c: {  	_ =	swait.ge [sflag:s2], $0x2400  }
0x7d: {  	[sflag:s2] =	ssyncset.done $0x0  }
0x7e: {  	[sflag:s2] =	ssyncadd.s32 $0xFFFFDC00  }
0x7f: {  	_ =	swait.ge [sflag:s2], $0x4000  }
0x80: {  	[sflag:s2] =	ssyncset.done $0x0  }
0x81: {  	[sflag:s2] =	ssyncadd.s32 $0xFFFFC000  }
0x82: {  	_ =	swait.ge [sflag:s2], $0x2400  }
0x83: {  	s20 =	sand.u32 $0x3FF00, s6;
	s19 =	smov.u32 s10;
	s21 =	rddreg [dreg:$0x2]  }
0x84: {  	[sflag:s2] =	ssyncset.done $0x0;
	s9 =	sadd.s32 s19, s21;
	s19 =	sand.u32 $0x60, s12  }
0x85: {  	[sflag:s2] =	ssyncadd.s32 $0xFFFFDC00;
	s21 =	sadd.s32 $0x1900, s9;
	s19 =	sadd.s32 s3, s19  }
0x86: {  	[hbm4b:s21+s1] =	stream.linear.scatter [tilespmem:s25], [sflag:$0x6], $0xC800, $0x38;
	[tilespmem:$0x19400] =	vst v63  }
0x87: {  	s19 =	sadd.s32 s20, s19  }
0x88: {  	[tilespmem:s15], [sflag:$0x2] =	stream.strided.gather [hbm4b:s19+s13], $0x200, s14, s13, $0x38;
	[tilespmem:$0x19400] =	vst v63  }
0x89: {  	_ =	swait.ge [sflag:s16], $0x200  }
0x8a: {  	[sflag:s16] =	ssyncset.done $0x0  }
0x8b: {  	[sflag:s16] =	ssyncadd.s32 $0xFFFFFE00  }
0x8c: {  	_ =	swait.ge [sflag:s7], $0xC800  }
0x8d: {  	[sflag:s7] =	ssyncset.done $0x0  }
0x8e: {  	[sflag:s7] =	ssyncadd.s32 $0xFFFF3800  }
0x8f: {  	[tilespmem:s14], [sflag:$0x3] =	stream.indirect.gather [hbm4b:s4+s17], $0x80, s1, s17, $0xb8;
	[tilespmem:$0x19400] =	vst v63  }
0x90: {  	s21 =	simm.s32 $0x4400  }
0x91: {  	[tilespmem:s21], [sflag:$0x3] =	stream.indirect.gather [hbm4b:s4+s18], $0x80, s13, s18, $0xb8;
	[tilespmem:$0x19400] =	vst v63  }
0x92: {  	_ = 	snop  }
0x93: {  	[tilespmem:s22], [sflag:$0x3] =	stream.indirect.gather [hbm4b:s4+s17], $0x80, s17, s17, $0xb8;
	[tilespmem:$0x19400] =	vst v63  }
0x94: {  	_ = 	snop  }
0x95: {  	[tilespmem:s28], [sflag:$0x3] =	stream.indirect.gather [hbm4b:s4+s18], $0x80, s26, s18, $0xb8;
	[tilespmem:$0x19400] =	vst v63  }
0x96: {  	_ =	swait.ge [sflag:s23], $0x4000  }
0x97: {  	[sflag:s23] =	ssyncset.done $0x0  }
0x98: {  	[sflag:s23] =	ssyncadd.s32 $0xFFFFC000  }
0x99: {  	_ =	swait.ge [sflag:s23], $0x2400  }
0x9a: {  	[sflag:s23] =	ssyncset.done $0x0  }
0x9b: {  	[sflag:s23] =	ssyncadd.s32 $0xFFFFDC00  }
0x9c: {  	_ =	swait.ge [sflag:s23], $0x4000  }
0x9d: {  	s20 =	smin.u32 s11, $0x3B;
	[sflag:s23] =	ssyncset.done $0x0  }
0x9e: {  	s9 =	sadd.s32 $0x3200, s9;
	s19 =	sadd.s32 $0x4, s20;
	[sflag:s23] =	ssyncadd.s32 $0xFFFFC000  }
0x9f: {  	s20 =	sshll.u32 s19, $0x6;
	s19 =	sshll.u32 s19, $0x5;
	_ =	swait.ge [sflag:s23], $0x2400  }
0xa0: {  	s20 =	sadd.s32 s5, s20;
	s19 =	sand.u32 $0x60, s19;
	[sflag:s23] =	ssyncset.done $0x0  }
0xa1: {  	s20 =	sand.u32 $0x3FF00, s20;
	s19 =	sadd.s32 s3, s19;
	[sflag:s23] =	ssyncadd.s32 $0xFFFFDC00  }
0xa2: {  	[hbm4b:s9+s1] =	stream.linear.scatter [tilespmem:s14], [sflag:$0x5], $0xC800, $0x38;
	[tilespmem:$0x19400] =	vst v63  }
0xa3: {  	s9 =	sadd.s32 s20, s19  }
0xa4: {  	[tilespmem:s1], [sflag:$0x1] =	stream.strided.gather [hbm4b:s9+s13], $0x200, s14, s13, $0x38;
	[tilespmem:$0x19400] =	vst v63  }
0xa5: {  	_ =	swait.ge [sflag:s24], $0x200  }
0xa6: {  	[sflag:s24] =	ssyncset.done $0x0  }
0xa7: {  	[sflag:s24] =	ssyncadd.s32 $0xFFFFFE00  }
0xa8: {  	p0 =	sne.s32 s10, $0x5DC00;
	_ =	swait.ge [sflag:s8], $0xC800  }
.Ltmp0:
0xa9: {  	[sflag:s8] =	ssyncset.done $0x0;
	(pc) =	sbr.rel @p0 .LBB2_2-.Ltmp0, $4  }
0xaa: {  	s6 =	sadd.s32 $0x80, s6;
	[sflag:s8] =	ssyncadd.s32 $0xFFFF3800  }
0xab: {  	[tilespmem:s25], [sflag:$0x4] =	stream.indirect.gather [hbm4b:s4+s17], $0x80, s15, s17, $0xb8;
	[tilespmem:$0x19400] =	vst v63  }
0xac: {  	s10 =	sadd.s32 $0x3200, s10;
	s12 =	sadd.s32 $0x40, s12;
	s11 =	sadd.s32 $0x2, s11  }
0xad: {  	[tilespmem:s30], [sflag:$0x4] =	stream.indirect.gather [hbm4b:s4+s18], $0x80, s29, s18, $0xb8;
	[tilespmem:$0x19400] =	vst v63  }
0xae: {  	s6 =	simm.s32 $0x280;
	s9 =	simm.s32 $0x13000  }
0xaf: {  	[tilespmem:s9], [sflag:$0x4] =	stream.indirect.gather [hbm4b:s4+s17], $0x80, s6, s17, $0xb8;
	[tilespmem:$0x19400] =	vst v63  }
0xb0: {  	_ = 	snop  }
0xb1: {  	[tilespmem:s0], [sflag:$0x4] =	stream.indirect.gather [hbm4b:s4+s18], $0x80, s31, s18, $0xb8;
	[tilespmem:$0x19400] =	vst v63  }
0xb2: {  	_ =	swait.ge [sflag:s2], $0x4000  }
0xb3: {  	[sflag:s2] =	ssyncset.done $0x0  }
0xb4: {  	[sflag:s2] =	ssyncadd.s32 $0xFFFFC000  }
0xb5: {  	_ =	swait.ge [sflag:s2], $0x2400  }
0xb6: {  	[sflag:s2] =	ssyncset.done $0x0  }
0xb7: {  	[sflag:s2] =	ssyncadd.s32 $0xFFFFDC00  }
0xb8: {  	_ =	swait.ge [sflag:s2], $0x4000  }
0xb9: {  	[sflag:s2] =	ssyncset.done $0x0  }
0xba: {  	[sflag:s2] =	ssyncadd.s32 $0xFFFFC000  }
0xbb: {  	_ =	swait.ge [sflag:s2], $0x2400  }
0xbc: {  	[sflag:s2] =	ssyncset.done $0x0  }
0xbd: {  	s20 =	rddreg [dreg:$0x7];
	[sflag:s2] =	ssyncadd.s32 $0xFFFFDC00  }
0xbe: {  	[hbm4b:s20+s1] =	stream.linear.scatter [tilespmem:s25], [sflag:$0x6], $0xC800, $0x38;
	[tilespmem:$0x19400] =	vst v63  }
0xbf: {  	_ =	swait.ge [sflag:s16], $0x200  }
0xc0: {  	[sflag:s16] =	ssyncset.done $0x0  }
0xc1: {  	[sflag:s16] =	ssyncadd.s32 $0xFFFFFE00  }
0xc2: {  	_ =	swait.ge [sflag:s7], $0xC800  }
0xc3: {  	[sflag:s7] =	ssyncset.done $0x0  }
0xc4: {  	[sflag:s7] =	ssyncadd.s32 $0xFFFF3800  }
0xc5: {  	_ =	swait.ge [sflag:s8], $0xC800  }
0xc6: {  	s22 =	rddreg [dreg:$0xa]  }
0xc7: {  	s26 =	rddreg [dreg:$0x8];
	s9 =	sadd.s32 $0x1, s22  }
0xc8: {  	p0 =	sne.s32 s9, s26  }
.Ltmp1:
0xc9: {  	_ = 	snop;
	(pc) =	sbr.rel @p0 .LBB2_1-.Ltmp1, $4  }
0xca: {  	_ = 	snop  }
0xcb: {  	s19 =	simm.s32 $0x6800  }
0xcc: {  	s28 =	simm.s32 $0x10C00;
	s20 =	simm.s32 $0x180;
	[sflag:s8] =	ssyncset.done $0x0  }
0xcd: {  	[sflag:s8] =	ssyncadd.s32 $0xFFFF3800;
	s22 =	simm.s32 $0xA800;
	s26 =	simm.s32 $0x300  }
0xce: {  	_ =	sfence.sel $0x180000  }
0xcf: {  	[bflag:$0x0] =	sbarrier.arrive $0xFFFF  }
0xd0: {  	_ =	strace $0x90000047  }
0xd1: {  	s0 =	stileid.u32;
	[bflag:$0x2] =	sbarrier.arrive $0xFFFF  }
0xd2: {  	p0 =	sne.s32 s0, $0x0;
	s0 =	rddreg [dreg:$0x1]  }
0xd3: {  	s0 =	sadd.s32 @!p0 $0x100000, s0  }
0xd4: {  	[sflag:s0] =	ssyncadd.tile.s32 @!p0 $0x1;
	_ =	shalt  }
.Lfunc_end2:
_tile_overlayer_lowered:
.L_overlay_start_2:
0xd5: {  	(tag) =	ssettag $0x2  }
0xd6: {  	s0 =	rddreg [dreg:$0x0];
	s2 =	stileid.u32  }
0xd7: {  	s1 =	rddreg [dreg:$0x1];
	p0 =	sne.s32 s2, $0x0  }
0xd8: {  	s3 =	rddreg [dreg:$0x2];
	[bflag:$0x3] =	sbarrier.arrive $0xFFFF;
	s2 =	simm.s32 @!p0 $0x1C07  }
0xd9: {  	[timem:s3], [sflag:s2] =	dma.local @!p0 [hbm:s0], s1  }
0xda: {  	s0 =	simm.s32 @!p0 $0x7  }
0xdb: {  	_ =	swait.ge @!p0 [sflag:s0], s1  }
0xdc: {  	s1 =	ssub.s32 @!p0 $0x0, s1;
	[sflag:s0] =	ssyncset.done @!p0 $0x0  }
0xdd: {  	[sflag:s0] =	ssyncadd.s32 @!p0 s1  }
0xde: {  	[bflag:$0x3] =	sbarrier.arrive $0xFFFF  }
0xdf: {  	_ =	shalt  }

// kernel: sparse-core-data-format-call.cloned.1.call-start
scs
called_computation_lowered:
.L_overlay_start_0:
0x0: {  	s2 =	sld [smem:$0x3FD9]  }
0x1: {  	s3 =	sld [smem:$0x3FFE];
	_ =	sdelay $0x1  }
0x2: {  	s1 =	srdreg.scid  }
0x3: {  	s0 =	sand.u32 $0x1, s1  }
0x4: {  	s15 =	sshll.u32 s0, $0xA;
	s2 =	sadd.s32 s3, s2  }
0x5: {  	s2 =	sadd.s32 s2, s15  }
0x6: {  	[smem:$0x3FC6] =	sst s2  }
0x7: {  	_ = 	snop  }
0x8: {  	s2 =	sld [smem:$0x3FD0];
	_ =	sdelay $0x2  }
0x9: {  	s16 =	simm.s32 $0xA;
	s4 =	simm.s32 $0x10  }
0xa: {  	[smem:s4], [sflag:s16] =	dma.local [hbm:s2], $0x1  }
0xb: {  	_ =	swait.eq [sflag:s16], $0x1  }
0xc: {  	[sflag:s16] =	ssyncset.done $0x0  }
0xd: {  	[sflag:s16] =	ssyncadd.s32 $0xFFFFFFFF  }
0xe: {  	s17 =	sld [smem:$0x10];
	(tm) =	ssettm $0x1  }
0xf: {  	s18 =	sld [smem:$0x3FFB];
	_ =	sdelay $0x3  }
0x10: {  	_ =	strace s18  }
0x11: {  	s3 =	sld [smem:$0x3FFC];
	_ =	sdelay $0x3  }
0x12: {  	_ =	strace s3  }
0x13: {  	s3 =	sld [smem:$0x3FFD];
	_ =	sdelay $0x3  }
0x14: {  	_ =	strace s3  }
0x15: {  	_ =	strace $0x8FFFFFFF  }
0x16: {  	s19 =	sld [smem:$0x3FDB];
	_ =	sdelay $0x1  }
0x17: {  	s20 =	simm.s32 $_scs_section_size  }
0x18: {  	s5 =	simm.s32 $_size__tile_overlayer_lowered;
	s6 =	simm.s32 $_tile_overlayer_lowered  }
0x19: {  	s23 =	simm.s32 $0x1BFF;
	s22 =	sshll.u32 s6, $0x1;
	s3 =	sadd.s32 s20, s19  }
0x1a: {  	s7 =	simm.s32 $0x0;
	s21 =	sshll.u32 s5, $0x1;
	s5 =	sadd.s32 s22, s3  }
0x1b: {  	[timem:s7], [sflag:s23] =	dma.local [hbm:s5], s21  }
0x1c: {  	_ =	swait.ge [sflag:s23], s21  }
0x1d: {  	s4 =	ssub.s32 $0x0, s21;
	[sflag:s23] =	ssyncset.done $0x0  }
0x1e: {  	[sflag:s23] =	ssyncadd.s32 s4;
	_ =	sdelay $0x1  }
0x1f: {  	s24 =	simm.s32 $0x1B8B  }
0x20: {  	_ =	swait.ge [sflag:s24], $0x1  }
0x21: {  	[sflag:s24] =	ssyncset.done $0x0  }
0x22: {  	s26 =	simm.s32 $0x1B8E;
	s25 =	sld [smem:$0x3FFE];
	[sflag:s24] =	ssyncadd.s32 $0xFFFFFFFF  }
0x23: {  	s27 =	simm.s32 $execute0_lowered;
	[smem:$0x3FD2] =	sst s26  }
0x24: {  	s5 =	sshll.u32 s27, $0x1;
	_ =	strace $0x80000049;
	[dreg:$0x1] =	wrdreg $0xFFFFFFFF  }
0x25: {  	s28 =	simm.s32 $_size_execute0_lowered;
	s3 =	sadd.s32 s3, s5;
	[dreg:$0x0] =	wrdreg $0x0  }
0x26: {  	s5 =	sshll.u32 s28, $0x1;
	[dreg:$0x2] =	wrdreg s3  }
0x27: {  	[dreg:$0x3] =	wrdreg s5  }
0x28: {  	[dreg:$0x4] =	wrdreg $0xC0  }
0x29: {  	_ =	task [dreg:s7], $0x5FFFF  }
0x2a: {  	[dreg:$0x1] =	wrdreg $0xFFFFFFFF  }
0x2b: {  	[dreg:$0x0] =	wrdreg $0x60  }
0x2c: {  	[dreg:$0x2] =	wrdreg s25  }
0x2d: {  	[dreg:$0x3] =	wrdreg s17  }
0x2e: {  	[dreg:$0x4] =	wrdreg $0x9  }
0x2f: {  	_ =	task.clear_ibuf [dreg:s7], $0x5FFFF;
	_ =	strace $0x90000049  }
0x30: {  	s29 =	simm.s32 $0x9;
	_ =	strace $0x8000004B  }
0x31: {  	_ =	swait.ge [sflag:s29], $0x1  }
0x32: {  	[sflag:s29] =	ssyncadd.s32 $0xFFFFFFFF  }
0x33: {  	_ =	strace $0x9000004B  }
0x34: {  	_ =	sfence  }
0x35: {  	s30 =	sld [smem:$0x0];
	_ =	sdelay $0x2  }
0x36: {  	s31 =	sshll.u32 s1, $0xD;
	s1 =	sshrl.u32 s1, $0x2  }
0x37: {  	s3 =	sand.u32 $0x4000, s31;
	s1 =	sadd.s32 s1, s30  }
0x38: {  	s0 =	sor.u32 s3, s0;
	s1 =	sshll.u32 s1, $0x11  }
0x39: {  	s0 =	sor.u32 s1, s0  }
0x3a: {  	s0 =	sadd.s32 $0x8F2B, s0  }
0x3b: {  	[sflag:s0] =	ssyncadd.remote.s32 $0x1  }
0x3c: {  	_ =	sfence.sel $0xFFFF  }
0x3d: {  	[dreg:$0x0] =	wrdreg $0xFFFFFFFF;
	(pc) =	sbr.abs _section_cstart, $3  }
0x3e: {  	[dreg:$0x1] =	wrdreg $0xFFFFFFFF  }
0x3f: {  	_ =	task.clear_ibuf [dreg:s7], $0x2FFFF;
	_ =	strace $0x9FFFFFFF  }
0x40: {  	(tm) =	ssettm $0x7FFFFFFF  }
0x41: {  	_ =	shalt  }
tec
execute0_lowered:
.L_overlay_start_1:
0x0: {  	(tag) =	ssettag $0x1  }
0x1: {  	s0 =	srdreg.scid  }
0x2: {  	s1 =	sshll.u32 s0, $0x4  }
0x3: {  	s0 =	stileid.u32;
	s1 =	sand.u32 $0x10, s1  }
0x4: {  	s1 =	sor.u32 s0, s1  }
0x5: {  	s6 =	rddreg [dreg:$0x0];
	s4 =	simm.s32 $0x1;
	s2 =	sshll.u32 s1, $0x7  }
0x6: {  	s7 =	simm.s32 $0x2;
	s12 =	simm.s32 $0x0;
	s1 =	ssub.s32 $0x1000, s2  }
0x7: {  	s8 =	simm.s32 $0x8000;
	s13 =	simm.s32 $0x0;
	s3 =	sand.u32 $0xF80, s1  }
0x8: {  	s9 =	simm.s32 $0x0;
	s5 =	sshrl.u32 s1, $0xC;
	p0 =	sne.s32 s3, $0x0  }
.Ltmp0:
0x9: {  	s1 =	rddreg [dreg:$0x2];
	s4 =	simm.s32 @!p0 $0x0;
	(pc) =	sbr.rel .LBB1_1-.Ltmp0, $4  }
0xa: {  	s11 =	simm.s32 $0x0;
	s3 =	rddreg [dreg:$0x1];
	s5 =	sadd.s32 s4, s5  }
0xb: {  	_ =	strace $0x8000004A;
	s4 =	simm.s32 $0x1;
	s5 =	smul.u32 $0xC8, s5  }
0xc: {  	s6 =	sadd.s32 $0xF62E00, s6;
	s10 =	smov.u32 s2;
	[sflag:s4] =	ssyncpa.u1 $0x0  }
0xd: {  	p0 =	por $0x0, $0x0;
	[sflag:s7] =	ssyncpa.u1 $0x0;
	s7 =	sor.u32 $0x1, s5  }
.LBB1_4:
0xe: {  	s16 =	sshll.u32 s13, $0x3;
	s17 =	sand.u32 $0x78, s13  }
0xf: {  	s30 =	sand.u32 $0x7E00, s13;
	s12 =	sshll.u32 s12, $0xF;
	s16 =	sand.u32 $0xC00, s16  }
0x10: {  	[tilespmem:s15+$0x810 ss:$0x81] =	vst.msk $0xffff, v2;
	s31 =	sand.u32 $0x7, s13;
	s16 =	sor.u32 s17, s16;
	s17 =	sadd.s32 s3, s30  }
0x11: {  	[tilespmem:s15+$0x1020 ss:$0x81] =	vst.msk $0xffff, v0;
	s13 =	sshll.u32 s31, $0x12;
	s12 =	sadd.s32 s12, s17;
	s16 =	sshrl.u32 s16, $0x3  }
0x12: {  	[tilespmem:s15+$0x0 ss:$0x81] =	vst.msk $0xffff, v1;
	s13 =	sor.u32 $0x400, s13;
	s12 =	sadd.s32 s16, s12  }
0x13: {  	[hbm4b:s12+s13] =	stream.strided.scatter [tilespmem:s14], [sflag:$0x2], $0x2000, s8, s13, $0x20;
	[tilespmem:$0x8080] =	vst v63  }
.LBB1_5:
0x14: {  	s14 =	sadd.s32 $0x1, s9  }
0x15: {  	s12 =	sadd.s32 $0x1000, s10;
	s16 =	smov.u32 s10;
	p2 =	sgt.s32 s14, $0xC7  }
0x16: {  	s16 =	smov.u32 @p2 s12  }
0x17: {  	s14 =	simm.s32 @p2 $0x0;
	p2 =	sgt.s32 s16, $0xFFF  }
0x18: {  	s16 =	smov.u32 @p2 s2;
	p2 =	sne.s32 s11, s7  }
.Ltmp1:
0x19: {  	p1 =	slt.u32 s11, $0x2;
	(pc) =	sbr.rel @!p2 .LBB1_6-.Ltmp1, $4  }
0x1a: {  	s15 =	simm.s32 @!p1 $0x2  }
0x1b: {  	s13 =	smov.u32 s10;
	p0 =	por !p0, !p0;
	_ =	swait.ge @!p1 [sflag:s15], $0x2000  }
0x1c: {  	s12 =	smov.u32 s9;
	[sflag:s15] =	ssyncset.done @!p1 $0x0;
	s9 =	smov.u32 s14  }
0x1d: {  	s11 =	sadd.s32 $0x1, s11;
	[sflag:s15] =	ssyncadd.s32 @!p1 $0xFFFFE000;
	s10 =	smov.u32 s16  }
.LBB1_1:
0x1e: {  	p1 =	sge.u32 s11, s5  }
0x1f: {  	s14 =	sand.u32 @!p1 $0x1FFFFFF, s9  }
0x20: {  	s15 =	smulhi.u32 @!p1 $0x147AE15, s14;
	_ =	sdelay $0x1  }
0x21: {  	s15 =	smul.u32 @!p1 $0xC8, s15  }
0x22: {  	s16 =	sxor.u32 @!p1 $0xFFFFFFFF, s11;
	s17 =	smul.u32 @!p1 $0xC80, s10  }
0x23: {  	s31 =	sadd.s32 $0xFFFFFFFF, s11;
	s16 =	sshll.u32 @!p1 s16, $0xD;
	s14 =	ssub.s32 @!p1 s14, s15  }
0x24: {  	s15 =	sand.u32 @!p1 $0x2000, s16;
	s16 =	sadd.s32 @!p1 s6, s17;
	s14 =	sshll.u32 @!p1 s14, $0x4  }
0x25: {  	s17 =	simm.s32 @!p1 $0x6400;
	s14 =	sadd.s32 @!p1 s14, s16;
	s16 =	simm.s32 @!p1 $0x40  }
0x26: {  	[tilespmem:s15], [sflag:$0x1] =	stream.strided.gather @!p1 [hbm4b:s14+s16], $0x2000, s17, s16, $0x38;
	[tilespmem:$0x8080] =	vst v63  }
0x27: {  	p1 =	sge.u32 s31, s5  }
.Ltmp2:
0x28: {  	_ = 	snop;
	(pc) =	sbr.rel @p1 .LBB1_5-.Ltmp2, $1  }
0x29: {  	_ =	sdelay $0x3  }
0x2a: {  	s14 =	simm.s32 $0x1  }
0x2b: {  	_ =	swait.ge [sflag:s4], $0x2000;
	s14 =	simm.s32 @!p0 $0x0  }
0x2c: {  	[sflag:s4] =	ssyncset.done $0x0;
	s15 =	sshll.u32 s14, $0xD  }
0x2d: {  	[sflag:s4] =	ssyncadd.s32 $0xFFFFE000;
	s18 =	sor.u32 $0x20, s15  }
0x2e: {  	s14 =	smul.u32 $0x8100, s14;
	v3 =	vld [tilespmem:s18+$0x10]  }
0x2f: {  	s30 =	sand.u32 $0x1, s11;
	v2 =	vld [tilespmem:s18+$0xFFFFFFF0]  }
0x30: {  	s15 =	smul.u32 $0x8100, s30;
	s14 =	sshrl.u32 s14, $0x2;
	v0 =	vld [tilespmem:s18+$0x0]  }
0x31: {  	v1 =	vld [tilespmem:s18+$0xFFFFFFE0];
	s16 =	sor.u32 $0x4000, s14  }
0x32: {  	s31 =	sshrl.u32 s15, $0x2;
	s15 =	sadd.s32 $0x0, s16  }
0x33: {  	s17 =	simm.s32 $0x4;
	s18 =	sadd.s32 $0x40, s18;
	s14 =	sor.u32 $0x4000, s31;
	[tilespmem:s15+$0x1830 ss:$0x81] =	vst.msk $0xffff, v3  }
.LBB1_3:
0x34: {  	v3 =	vld [tilespmem:s18+$0x10];
	p1 =	sne.s32 s17, $0x1FC;
	[tilespmem:s15+$0x810 ss:$0x81] =	vst.msk $0xffff, v2;
	s19 =	smov.u32 s17;
	s17 =	sadd.s32 $0x4, s17  }
.Ltmp3:
0x35: {  	v2 =	vld [tilespmem:s18+$0xFFFFFFF0];
	[tilespmem:s15+$0x1020 ss:$0x81] =	vst.msk $0xffff, v0;
	(pc) =	sbr.rel @p1 .LBB1_3-.Ltmp3, $4  }
0x36: {  	v0 =	vld [tilespmem:s18+$0x0];
	[tilespmem:s15+$0x0 ss:$0x81] =	vst.msk $0xffff, v1  }
0x37: {  	s15 =	sshra.s32 s19, $0x2;
	v1 =	vld [tilespmem:s18+$0xFFFFFFE0]  }
0x38: {  	s15 =	sadd.s32 s15, s16  }
0x39: {  	s18 =	sadd.s32 $0x40, s18;
	[tilespmem:s15+$0x1830 ss:$0x81] =	vst.msk $0xffff, v3  }
.Ltmp4:
0x3a: {  	_ = 	snop;
	(pc) =	sbr.rel .LBB1_4-.Ltmp4, $1  }
0x3b: {  	_ =	sdelay $0x3  }
.LBB1_6:
0x3c: {  	_ =	sfence.sel $0x180000  }
0x3d: {  	s2 =	simm.s32 $0x1;
	[bflag:$0x0] =	sbarrier.arrive $0xFFFF  }
0x3e: {  	s31 =	simm.s32 $0x2;
	[sflag:s2] =	ssyncpa.u1 $0x1  }
0x3f: {  	[sflag:s31] =	ssyncpa.u1 $0x1  }
0x40: {  	p0 =	sne.s32 s0, $0x0;
	_ =	strace $0x9000004A  }
0x41: {  	s0 =	sadd.s32 @!p0 $0x100000, s1;
	[bflag:$0x2] =	sbarrier.arrive $0xFFFF  }
0x42: {  	[sflag:s0] =	ssyncadd.tile.s32 @!p0 $0x1;
	_ =	shalt  }
.Lfunc_end1:
_tile_overlayer_lowered:
.L_overlay_start_2:
0x43: {  	(tag) =	ssettag $0x2  }
0x44: {  	s0 =	rddreg [dreg:$0x0];
	s2 =	stileid.u32  }
0x45: {  	s1 =	rddreg [dreg:$0x1];
	p0 =	sne.s32 s2, $0x0  }
0x46: {  	s3 =	rddreg [dreg:$0x2];
	[bflag:$0x3] =	sbarrier.arrive $0xFFFF;
	s2 =	simm.s32 @!p0 $0x1C01  }
0x47: {  	[timem:s3], [sflag:s2] =	dma.local @!p0 [hbm:s0], s1  }
0x48: {  	s0 =	simm.s32 @!p0 $0x1  }
0x49: {  	_ =	swait.ge @!p0 [sflag:s0], s1  }
0x4a: {  	s1 =	ssub.s32 @!p0 $0x0, s1;
	[sflag:s0] =	ssyncset.done @!p0 $0x0  }
0x4b: {  	[sflag:s0] =	ssyncadd.s32 @!p0 s1  }
0x4c: {  	[bflag:$0x3] =	sbarrier.arrive $0xFFFF  }
0x4d: {  	_ =	shalt  }

</sc_bundles>
